<compile_context>
chip_gen: v7x
topology: tpu7x:2x2x1
jax: 0.10.2.dev20260603
libtpu: 0.0.44.dev20260713+nightly
codegen_flags: <defaults>
</compile_context>

<pallas_src>
import functools

import jax
import jax.numpy as jnp
from jax import lax
from jax.experimental import pallas as pl
from jax.experimental.pallas import tpu as pltpu
from jax.experimental.pallas import tpu_sc as plsc

_N = 10000
_E = 320000
_D = 128
_G = 64
_WAUG = 144

_K = 80
_NC = 2
_NS = 16
_NW = _NC * _NS
_EPW = _E // _NW
_NCHUNK = _EPW // _K
_RPT = _N // _NS
_ZR = 125
_NZ = _RPT // _ZR

_BN = 1000
_PREC = lax.Precision.HIGHEST


def _make_sc_pass(width):
  mesh = plsc.VectorSubcoreMesh(core_axis_name="c", subcore_axis_name="s")

  def body(table_hbm, gidx_hbm, sidx_hbm, z_hbm, out_hbm,
           gv, sv, rows, zb, acc_sh, sem):
    c = lax.axis_index("c")
    s = lax.axis_index("s")
    w = s * _NC + c

    pltpu.sync_copy(z_hbm, zb)

    def zstep(k, carry):
      pltpu.sync_copy(zb, acc_sh.at[pl.ds(s * _RPT + k * _ZR, _ZR)])
      return carry
    lax.fori_loop(0, _NZ, zstep, 0)
    plsc.subcore_barrier()

    rbase = w * _NCHUNK

    def estep(i, carry):
      pltpu.sync_copy(gidx_hbm.at[rbase + i], gv)
      pltpu.sync_copy(sidx_hbm.at[rbase + i], sv)
      pltpu.async_copy(table_hbm.at[gv], rows, sem).wait()
      pltpu.sync_copy(rows, acc_sh.at[sv], add=True)
      return carry
    lax.fori_loop(0, _NCHUNK, estep, 0)
    plsc.subcore_barrier()

    def ostep(k, carry):
      r0 = s * _RPT + k * _ZR
      pltpu.sync_copy(acc_sh.at[pl.ds(r0, _ZR)], zb)
      pltpu.sync_copy(zb, out_hbm.at[c, pl.ds(r0, _ZR)])
      return carry
    lax.fori_loop(0, _NZ, ostep, 0)

  return pl.kernel(
      body,
      out_type=jax.ShapeDtypeStruct((_NC, _N, width), jnp.float32),
      mesh=mesh,
      compiler_params=pltpu.CompilerParams(use_tc_tiling_on_sc=False),
      scratch_types=[
          pltpu.VMEM((_K,), jnp.int32),
          pltpu.VMEM((_K,), jnp.int32),
          pltpu.VMEM((_K, width), jnp.float32),
          pltpu.VMEM((_ZR, width), jnp.float32),
          pltpu.VMEM_SHARED((_N, width), jnp.float32),
          pltpu.SemaphoreType.DMA,
      ],
  )


_sc_pass_a = _make_sc_pass(_WAUG)
_sc_pass_b = _make_sc_pass(_G)


def _prep_body(batch_ref, d0_ref, d1_ref, scale_ref, q_ref, cmat_ref, gnz_ref):
  gi = lax.broadcasted_iota(jnp.int32, (1, _G), 1)
  oh = (batch_ref[...] == gi).astype(jnp.float32)
  gc = jnp.sum(oh, axis=0, keepdims=True)
  gcc = jnp.maximum(gc, 1.0)
  deg = d0_ref[...] + d1_ref[...]
  scale = 1.0 / jnp.maximum(deg, 1.0)
  ohg = oh / gcc
  scale_ref[...] = scale
  cmat_ref[...] = ohg
  q_ref[...] = ohg * scale
  gnz_ref[...] = jnp.minimum(gc, 1.0)


_prep = pl.pallas_call(
    _prep_body,
    out_shape=(
        jax.ShapeDtypeStruct((_N, 1), jnp.float32),
        jax.ShapeDtypeStruct((_N, _G), jnp.float32),
        jax.ShapeDtypeStruct((_N, _G), jnp.float32),
        jax.ShapeDtypeStruct((1, _G), jnp.float32),
    ),
)


def _h_body(p0, p1, x, scale, w1l, w1r, b1, h_out):
  mean = (p0[...] + p1[...]) * scale[...]
  acc = jnp.dot(mean, w1l[...], preferred_element_type=jnp.float32,
                precision=_PREC)
  acc = acc + jnp.dot(x[...], w1r[...], preferred_element_type=jnp.float32,
                      precision=_PREC)
  h_out[...] = jnp.maximum(acc + b1[...], 0.0)


_h_call = pl.pallas_call(
    _h_body,
    grid=(_N // _BN,),
    in_specs=[
        pl.BlockSpec((_BN, _D), lambda i: (i, 0)),
        pl.BlockSpec((_BN, _D), lambda i: (i, 0)),
        pl.BlockSpec((_BN, _D), lambda i: (i, 0)),
        pl.BlockSpec((_BN, 1), lambda i: (i, 0)),
        pl.BlockSpec((_D, _D), lambda i: (0, 0)),
        pl.BlockSpec((_D, _D), lambda i: (0, 0)),
        pl.BlockSpec((1, _D), lambda i: (0, 0)),
    ],
    out_specs=pl.BlockSpec((_BN, _D), lambda i: (i, 0)),
    out_shape=jax.ShapeDtypeStruct((_N, _D), jnp.float32),
)


def _final_body(s0, s1, cmat, h, w2l, w2r, b2, gnz, out_ref, acc):
  i = pl.program_id(0)

  @pl.when(i == 0)
  def _init():
    acc[...] = jnp.zeros_like(acc)

  u = jnp.concatenate([s0[...] + s1[...], cmat[...]], axis=1)
  acc[...] += lax.dot_general(
      u, h[...], (((0,), (0,)), ((), ())),
      preferred_element_type=jnp.float32, precision=_PREC)

  @pl.when(i == pl.num_programs(0) - 1)
  def _fin():
    t = acc[...]
    out_ref[...] = (
        jnp.dot(t[:_G], w2l[...], preferred_element_type=jnp.float32,
                precision=_PREC)
        + jnp.dot(t[_G:], w2r[...], preferred_element_type=jnp.float32,
                  precision=_PREC)
        + gnz[...].T * b2[...])


_final_call = pl.pallas_call(
    _final_body,
    grid=(_N // _BN,),
    in_specs=[
        pl.BlockSpec((_BN, _G), lambda i: (i, 0)),
        pl.BlockSpec((_BN, _G), lambda i: (i, 0)),
        pl.BlockSpec((_BN, _G), lambda i: (i, 0)),
        pl.BlockSpec((_BN, _D), lambda i: (i, 0)),
        pl.BlockSpec((_D, _D), lambda i: (0, 0)),
        pl.BlockSpec((_D, _D), lambda i: (0, 0)),
        pl.BlockSpec((1, _D), lambda i: (0, 0)),
        pl.BlockSpec((1, _G), lambda i: (0, 0)),
    ],
    out_specs=pl.BlockSpec((_G, _D), lambda i: (0, 0)),
    out_shape=jax.ShapeDtypeStruct((_G, _D), jnp.float32),
    scratch_shapes=[pltpu.VMEM((2 * _G, _D), jnp.float32)],
)


def kernel(x, edge_index, batch, W1_l, W1_r, b1, W2_l, W2_r, b2):
  x = x.astype(jnp.float32)
  src = edge_index[0].reshape(_E // _K, _K)
  dst = edge_index[1].reshape(_E // _K, _K)
  pad = jnp.concatenate(
      [jnp.ones((_N, 1), jnp.float32),
       jnp.zeros((_N, _WAUG - _D - 1), jnp.float32)], axis=1)
  x_aug = jnp.concatenate([x, pad], axis=1)
  z_a = jnp.zeros((_ZR, _WAUG), jnp.float32)
  z_b = jnp.zeros((_ZR, _G), jnp.float32)

  agg = _sc_pass_a(x_aug, src, dst, z_a)
  p0 = agg[0, :, :_D]
  p1 = agg[1, :, :_D]
  d0 = agg[0, :, _D:_D + 1]
  d1 = agg[1, :, _D:_D + 1]

  scale, q, cmat, gnz = _prep(batch.reshape(_N, 1), d0, d1)
  h = _h_call(p0, p1, x, scale, W1_l, W1_r, b1.reshape(1, _D))
  spart = _sc_pass_b(q, dst, src, z_b)
  return _final_call(spart[0], spart[1], cmat, h,
                     W2_l, W2_r, b2.reshape(1, _D), gnz)

# --- scband reference (transcript-rebuilt; emitter-appended) ---
"""Pipeline reference for scband-graph-sage-79834852098094 (READ-ONLY COPY).

The authoritative reference and input builder live on the scoring server;
editing this copy changes nothing except your own understanding.
"""

import jax, jax.numpy as jnp
import numpy as np

N = 10000
E = 320000
D_IN = 128
D_HID = 128
D_OUT = 128
G = 64


def setup_inputs(seed: int = 0) -> dict:
    key = jax.random.key(seed)
    ks = jax.random.split(key, 9)
    x = jax.random.normal(ks[0], (N, D_IN), dtype=jnp.float32)
    edge_index = jax.random.randint(ks[1], (2, E), 0, N, dtype=jnp.int32)
    batch = jnp.sort(jax.random.randint(ks[2], (N,), 0, G, dtype=jnp.int32))
    # SAGEConv params: lin_l applied to aggregated neighbors, lin_r to root (PyG convention)
    W1_l = jax.random.normal(ks[3], (D_IN, D_HID), dtype=jnp.float32) * 0.05
    W1_r = jax.random.normal(ks[4], (D_IN, D_HID), dtype=jnp.float32) * 0.05
    b1 = jnp.zeros((D_HID,), dtype=jnp.float32)
    W2_l = jax.random.normal(ks[5], (D_HID, D_OUT), dtype=jnp.float32) * 0.05
    W2_r = jax.random.normal(ks[6], (D_HID, D_OUT), dtype=jnp.float32) * 0.05
    b2 = jnp.zeros((D_OUT,), dtype=jnp.float32)
    return {"x": x, "edge_index": edge_index, "batch": batch,
            "W1_l": W1_l, "W1_r": W1_r, "b1": b1,
            "W2_l": W2_l, "W2_r": W2_r, "b2": b2}


def _sage_conv(x, edge_index, W_l, W_r, b):
    src = edge_index[0]
    dst = edge_index[1]
    msgs = jnp.take(x, src, axis=0)
    agg = jax.ops.segment_sum(msgs, dst, num_segments=N)
    cnt = jax.ops.segment_sum(jnp.ones((msgs.shape[0], 1), dtype=x.dtype), dst, num_segments=N)
    mean = agg / jnp.clip(cnt, 1.0)
    return mean @ W_l + x @ W_r + b


def reference(x, edge_index, batch, W1_l, W1_r, b1, W2_l, W2_r, b2):
    x = x.astype(jnp.float32)
    h = _sage_conv(x, edge_index, W1_l, W1_r, b1)
    h = jax.nn.relu(h)
    # F.dropout with training=False is identity (eval mode)
    h = _sage_conv(h, edge_index, W2_l, W2_r, b2)
    # global_mean_pool over graph ids in `batch`
    pooled = jax.ops.segment_sum(h, batch, num_segments=G)
    counts = jax.ops.segment_sum(jnp.ones((h.shape[0], 1), dtype=h.dtype), batch, num_segments=G)
    return pooled / jnp.clip(counts, 1.0)

if __name__ == "__main__":
    import jax
    _d = setup_inputs()
    print(jax.jit(kernel)(*tuple(_d.values())))

</pallas_src>

<mosaic_0001>
#map = affine_map<(d0, d1) -> (0, 0)>
#map1 = affine_map<(d0, d1) -> (0, 0, 0)>
module attributes {stable_mosaic.version = 14 : i64} {
  func.func @body(%arg0: i32, %arg1: i32, %arg2: memref<10000x144xf32, #tpu.memory_space<hbm>>, %arg3: memref<4000x80xi32, #tpu.memory_space<hbm>>, %arg4: memref<4000x80xi32, #tpu.memory_space<hbm>>, %arg5: memref<125x144xf32, #tpu.memory_space<hbm>>, %arg6: memref<2x10000x144xf32, #tpu.memory_space<hbm>>, %arg7: memref<80xi32, #tpu.memory_space<vmem>>, %arg8: memref<80xi32, #tpu.memory_space<vmem>>, %arg9: memref<80x144xf32, #tpu.memory_space<vmem>>, %arg10: memref<125x144xf32, #tpu.memory_space<vmem>>, %arg11: memref<10000x144xf32, #tpu.memory_space<vmem_shared>>, %arg12: memref<!tpu.dma_semaphore, #tpu.memory_space<semaphore_mem>>) attributes {dimension_semantics = [#tpu.dimension_semantics<core_parallel>, #tpu.dimension_semantics<subcore_parallel>], iteration_bounds = array<i64: 2, 16>, scalar_prefetch = 0 : i64, scratch_operands = 6 : i64, tpu.core_type = #tpu.core_type<sc_vector_subcore>, window_params = [{transform_indices = #map}, {transform_indices = #map}, {transform_indices = #map}, {transform_indices = #map}, {transform_indices = #map1}]} {
    %mul3A = arith.constant 2 : i32
    %mul3A_0 = arith.muli %arg1, %mul3A : i32
    %add3A = arith.addi %mul3A_0, %arg0 : i32
    "tpu.region"() ({
      %run_scoped3A = tpu.sem_alloc : memref<!tpu.dma_semaphore, #tpu.memory_space<semaphore_mem>>
      tpu.enqueue_dma source(%arg5 : memref<125x144xf32, #tpu.memory_space<hbm>>) target(%arg10 : memref<125x144xf32, #tpu.memory_space<vmem>>) target_semaphore(%run_scoped3A : memref<!tpu.dma_semaphore, #tpu.memory_space<semaphore_mem>>)
      tpu.wait_dma2 semaphore(%run_scoped3A : memref<!tpu.dma_semaphore, #tpu.memory_space<semaphore_mem>>) src(%arg5 : memref<125x144xf32, #tpu.memory_space<hbm>>) dst(%arg10 : memref<125x144xf32, #tpu.memory_space<vmem>>)
      tpu.yield
    }) : () -> ()
    %scan3A = arith.constant 0 : i32
    %scan3A_1 = arith.constant 0 : i32
    %scan3A_2 = arith.constant 5 : i32
    %scan3A_3 = arith.addi %scan3A_1, %scan3A_2 : i32
    %scan3A_4 = arith.constant 1 : i32
    scf.for %scan3A_21 = %scan3A_1 to %scan3A_3 step %scan3A_4  : i32 {
      %mul3A_22 = arith.constant 625 : i32
      %mul3A_23 = arith.muli %arg1, %mul3A_22 : i32
      %mul3A_24 = arith.constant 125 : i32
      %mul3A_25 = arith.muli %scan3A_21, %mul3A_24 : i32
      %add3A_26 = arith.addi %mul3A_23, %mul3A_25 : i32
      "tpu.region"() ({
        %run_scoped3A = tpu.sem_alloc : memref<!tpu.dma_semaphore, #tpu.memory_space<semaphore_mem>>
        %dma_start3A = arith.constant 0 : i32
        %dma_start3A_27 = tpu.memref_slice %arg11[%add3A_26, %dma_start3A] : memref<10000x144xf32, #tpu.memory_space<vmem_shared>> -> memref<125x144xf32, #tpu.memory_space<vmem_shared>>
        %dma_start3A_28 = arith.constant 0 : i32
        %dma_start3A_29 = tpu.memref_slice %arg11[%add3A_26, %dma_start3A_28] : memref<10000x144xf32, #tpu.memory_space<vmem_shared>> -> memref<125x144xf32, #tpu.memory_space<vmem_shared>>
        tpu.enqueue_dma source(%arg10 : memref<125x144xf32, #tpu.memory_space<vmem>>) target(%dma_start3A_29 : memref<125x144xf32, #tpu.memory_space<vmem_shared>>) target_semaphore(%run_scoped3A : memref<!tpu.dma_semaphore, #tpu.memory_space<semaphore_mem>>)
        %dma_wait3A = arith.constant 0 : i32
        %dma_wait3A_30 = tpu.memref_slice %arg11[%add3A_26, %dma_wait3A] : memref<10000x144xf32, #tpu.memory_space<vmem_shared>> -> memref<125x144xf32, #tpu.memory_space<vmem_shared>>
        %dma_wait3A_31 = arith.constant 0 : i32
        %dma_wait3A_32 = tpu.memref_slice %arg11[%add3A_26, %dma_wait3A_31] : memref<10000x144xf32, #tpu.memory_space<vmem_shared>> -> memref<125x144xf32, #tpu.memory_space<vmem_shared>>
        tpu.wait_dma2 semaphore(%run_scoped3A : memref<!tpu.dma_semaphore, #tpu.memory_space<semaphore_mem>>) src(%arg10 : memref<125x144xf32, #tpu.memory_space<vmem>>) dst(%dma_wait3A_32 : memref<125x144xf32, #tpu.memory_space<vmem_shared>>)
        tpu.yield
      }) : () -> ()
    }
    %scan3A_5 = arith.constant 5 : i32
    %barrier3A = arith.constant 0 : index
    tpu.barrier barrier_id(%barrier3A)
    %mul3A_6 = arith.constant 125 : i32
    %mul3A_7 = arith.muli %add3A, %mul3A_6 : i32
    %scan3A_8 = arith.constant 0 : i32
    %scan3A_9 = arith.constant 0 : i32
    %scan3A_10 = arith.constant 125 : i32
    %scan3A_11 = arith.addi %scan3A_9, %scan3A_10 : i32
    %scan3A_12 = arith.constant 1 : i32
    scf.for %scan3A_21 = %scan3A_9 to %scan3A_11 step %scan3A_12  : i32 {
      %add3A_22 = arith.addi %mul3A_7, %scan3A_21 : i32
      "tpu.region"() ({
        %run_scoped3A = tpu.sem_alloc : memref<!tpu.dma_semaphore, #tpu.memory_space<semaphore_mem>>
        %dma_start3A_28 = arith.constant 0 : i32
        %dma_start3A_29 = tpu.memref_slice %arg3[%add3A_22, %dma_start3A_28] : memref<4000x80xi32, #tpu.memory_space<hbm>> -> memref<1x80xi32, #tpu.memory_space<hbm>>
        %dma_start3A_30 = tpu.memref_squeeze %dma_start3A_29 : memref<1x80xi32, #tpu.memory_space<hbm>> -> memref<80xi32, #tpu.memory_space<hbm>>
        %dma_start3A_31 = arith.constant 0 : i32
        %dma_start3A_32 = tpu.memref_slice %arg3[%add3A_22, %dma_start3A_31] : memref<4000x80xi32, #tpu.memory_space<hbm>> -> memref<1x80xi32, #tpu.memory_space<hbm>>
        %dma_start3A_33 = tpu.memref_squeeze %dma_start3A_32 : memref<1x80xi32, #tpu.memory_space<hbm>> -> memref<80xi32, #tpu.memory_space<hbm>>
        tpu.enqueue_dma source(%dma_start3A_33 : memref<80xi32, #tpu.memory_space<hbm>>) target(%arg7 : memref<80xi32, #tpu.memory_space<vmem>>) target_semaphore(%run_scoped3A : memref<!tpu.dma_semaphore, #tpu.memory_space<semaphore_mem>>)
        %dma_wait3A_34 = arith.constant 0 : i32
        %dma_wait3A_35 = tpu.memref_slice %arg3[%add3A_22, %dma_wait3A_34] : memref<4000x80xi32, #tpu.memory_space<hbm>> -> memref<1x80xi32, #tpu.memory_space<hbm>>
        %dma_wait3A_36 = tpu.memref_squeeze %dma_wait3A_35 : memref<1x80xi32, #tpu.memory_space<hbm>> -> memref<80xi32, #tpu.memory_space<hbm>>
        %dma_wait3A_37 = arith.constant 0 : i32
        %dma_wait3A_38 = tpu.memref_slice %arg3[%add3A_22, %dma_wait3A_37] : memref<4000x80xi32, #tpu.memory_space<hbm>> -> memref<1x80xi32, #tpu.memory_space<hbm>>
        %dma_wait3A_39 = tpu.memref_squeeze %dma_wait3A_38 : memref<1x80xi32, #tpu.memory_space<hbm>> -> memref<80xi32, #tpu.memory_space<hbm>>
        tpu.wait_dma2 semaphore(%run_scoped3A : memref<!tpu.dma_semaphore, #tpu.memory_space<semaphore_mem>>) src(%dma_wait3A_39 : memref<80xi32, #tpu.memory_space<hbm>>) dst(%arg7 : memref<80xi32, #tpu.memory_space<vmem>>)
        tpu.yield
      }) : () -> ()
      %add3A_23 = arith.addi %mul3A_7, %scan3A_21 : i32
      "tpu.region"() ({
        %run_scoped3A = tpu.sem_alloc : memref<!tpu.dma_semaphore, #tpu.memory_space<semaphore_mem>>
        %dma_start3A_28 = arith.constant 0 : i32
        %dma_start3A_29 = tpu.memref_slice %arg4[%add3A_23, %dma_start3A_28] : memref<4000x80xi32, #tpu.memory_space<hbm>> -> memref<1x80xi32, #tpu.memory_space<hbm>>
        %dma_start3A_30 = tpu.memref_squeeze %dma_start3A_29 : memref<1x80xi32, #tpu.memory_space<hbm>> -> memref<80xi32, #tpu.memory_space<hbm>>
        %dma_start3A_31 = arith.constant 0 : i32
        %dma_start3A_32 = tpu.memref_slice %arg4[%add3A_23, %dma_start3A_31] : memref<4000x80xi32, #tpu.memory_space<hbm>> -> memref<1x80xi32, #tpu.memory_space<hbm>>
        %dma_start3A_33 = tpu.memref_squeeze %dma_start3A_32 : memref<1x80xi32, #tpu.memory_space<hbm>> -> memref<80xi32, #tpu.memory_space<hbm>>
        tpu.enqueue_dma source(%dma_start3A_33 : memref<80xi32, #tpu.memory_space<hbm>>) target(%arg8 : memref<80xi32, #tpu.memory_space<vmem>>) target_semaphore(%run_scoped3A : memref<!tpu.dma_semaphore, #tpu.memory_space<semaphore_mem>>)
        %dma_wait3A_34 = arith.constant 0 : i32
        %dma_wait3A_35 = tpu.memref_slice %arg4[%add3A_23, %dma_wait3A_34] : memref<4000x80xi32, #tpu.memory_space<hbm>> -> memref<1x80xi32, #tpu.memory_space<hbm>>
        %dma_wait3A_36 = tpu.memref_squeeze %dma_wait3A_35 : memref<1x80xi32, #tpu.memory_space<hbm>> -> memref<80xi32, #tpu.memory_space<hbm>>
        %dma_wait3A_37 = arith.constant 0 : i32
        %dma_wait3A_38 = tpu.memref_slice %arg4[%add3A_23, %dma_wait3A_37] : memref<4000x80xi32, #tpu.memory_space<hbm>> -> memref<1x80xi32, #tpu.memory_space<hbm>>
        %dma_wait3A_39 = tpu.memref_squeeze %dma_wait3A_38 : memref<1x80xi32, #tpu.memory_space<hbm>> -> memref<80xi32, #tpu.memory_space<hbm>>
        tpu.wait_dma2 semaphore(%run_scoped3A : memref<!tpu.dma_semaphore, #tpu.memory_space<semaphore_mem>>) src(%dma_wait3A_39 : memref<80xi32, #tpu.memory_space<hbm>>) dst(%arg8 : memref<80xi32, #tpu.memory_space<vmem>>)
        tpu.yield
      }) : () -> ()
      %dma_start3A = arith.constant 0 : i32
      %dma_start3A_24 = arith.constant 0 : i32
      %dma_start3A_25 = tpu.memref_slice %arg2[%dma_start3A, %dma_start3A_24] : memref<10000x144xf32, #tpu.memory_space<hbm>> -> memref<10000x144xf32, #tpu.memory_space<hbm>>
      tpu.enqueue_indirect_dma source(%dma_start3A_25 : memref<10000x144xf32, #tpu.memory_space<hbm>>) target(%arg9 : memref<80x144xf32, #tpu.memory_space<vmem>>) offsets(%arg7 : memref<80xi32, #tpu.memory_space<vmem>>) semaphore(%arg12 : memref<!tpu.dma_semaphore, #tpu.memory_space<semaphore_mem>>)
      %dma_wait3A = arith.constant 0 : i32
      %dma_wait3A_26 = arith.constant 0 : i32
      %dma_wait3A_27 = tpu.memref_slice %arg2[%dma_wait3A, %dma_wait3A_26] : memref<10000x144xf32, #tpu.memory_space<hbm>> -> memref<10000x144xf32, #tpu.memory_space<hbm>>
      tpu.wait_indirect_dma semaphore(%arg12 : memref<!tpu.dma_semaphore, #tpu.memory_space<semaphore_mem>>) src(%dma_wait3A_27 : memref<10000x144xf32, #tpu.memory_space<hbm>>) dst(%arg9 : memref<80x144xf32, #tpu.memory_space<vmem>>)
      "tpu.region"() ({
        %run_scoped3A = tpu.sem_alloc : memref<!tpu.dma_semaphore, #tpu.memory_space<semaphore_mem>>
        %dma_start3A_28 = arith.constant 0 : i32
        %dma_start3A_29 = arith.constant 0 : i32
        %dma_start3A_30 = tpu.memref_slice %arg11[%dma_start3A_28, %dma_start3A_29] : memref<10000x144xf32, #tpu.memory_space<vmem_shared>> -> memref<10000x144xf32, #tpu.memory_space<vmem_shared>>
        tpu.enqueue_indirect_dma source(%arg9 : memref<80x144xf32, #tpu.memory_space<vmem>>) target(%dma_start3A_30 : memref<10000x144xf32, #tpu.memory_space<vmem_shared>>) offsets(%arg8 : memref<80xi32, #tpu.memory_space<vmem>>) semaphore(%run_scoped3A : memref<!tpu.dma_semaphore, #tpu.memory_space<semaphore_mem>>) {add = true}
        %dma_wait3A_31 = arith.constant 0 : i32
        %dma_wait3A_32 = arith.constant 0 : i32
        %dma_wait3A_33 = tpu.memref_slice %arg11[%dma_wait3A_31, %dma_wait3A_32] : memref<10000x144xf32, #tpu.memory_space<vmem_shared>> -> memref<10000x144xf32, #tpu.memory_space<vmem_shared>>
        tpu.wait_indirect_dma semaphore(%run_scoped3A : memref<!tpu.dma_semaphore, #tpu.memory_space<semaphore_mem>>) src(%arg9 : memref<80x144xf32, #tpu.memory_space<vmem>>) dst(%dma_wait3A_33 : memref<10000x144xf32, #tpu.memory_space<vmem_shared>>)
        tpu.yield
      }) : () -> ()
    }
    %scan3A_13 = arith.constant 125 : i32
    %barrier3A_14 = arith.constant 0 : index
    tpu.barrier barrier_id(%barrier3A_14)
    %scan3A_15 = arith.constant 0 : i32
    %scan3A_16 = arith.constant 0 : i32
    %scan3A_17 = arith.constant 5 : i32
    %scan3A_18 = arith.addi %scan3A_16, %scan3A_17 : i32
    %scan3A_19 = arith.constant 1 : i32
    scf.for %scan3A_21 = %scan3A_16 to %scan3A_18 step %scan3A_19  : i32 {
      %mul3A_22 = arith.constant 625 : i32
      %mul3A_23 = arith.muli %arg1, %mul3A_22 : i32
      %mul3A_24 = arith.constant 125 : i32
      %mul3A_25 = arith.muli %scan3A_21, %mul3A_24 : i32
      %add3A_26 = arith.addi %mul3A_23, %mul3A_25 : i32
      "tpu.region"() ({
        %run_scoped3A = tpu.sem_alloc : memref<!tpu.dma_semaphore, #tpu.memory_space<semaphore_mem>>
        %dma_start3A = arith.constant 0 : i32
        %dma_start3A_27 = tpu.memref_slice %arg11[%add3A_26, %dma_start3A] : memref<10000x144xf32, #tpu.memory_space<vmem_shared>> -> memref<125x144xf32, #tpu.memory_space<vmem_shared>>
        %dma_start3A_28 = arith.constant 0 : i32
        %dma_start3A_29 = tpu.memref_slice %arg11[%add3A_26, %dma_start3A_28] : memref<10000x144xf32, #tpu.memory_space<vmem_shared>> -> memref<125x144xf32, #tpu.memory_space<vmem_shared>>
        tpu.enqueue_dma source(%dma_start3A_29 : memref<125x144xf32, #tpu.memory_space<vmem_shared>>) target(%arg10 : memref<125x144xf32, #tpu.memory_space<vmem>>) target_semaphore(%run_scoped3A : memref<!tpu.dma_semaphore, #tpu.memory_space<semaphore_mem>>)
        %dma_wait3A = arith.constant 0 : i32
        %dma_wait3A_30 = tpu.memref_slice %arg11[%add3A_26, %dma_wait3A] : memref<10000x144xf32, #tpu.memory_space<vmem_shared>> -> memref<125x144xf32, #tpu.memory_space<vmem_shared>>
        %dma_wait3A_31 = arith.constant 0 : i32
        %dma_wait3A_32 = tpu.memref_slice %arg11[%add3A_26, %dma_wait3A_31] : memref<10000x144xf32, #tpu.memory_space<vmem_shared>> -> memref<125x144xf32, #tpu.memory_space<vmem_shared>>
        tpu.wait_dma2 semaphore(%run_scoped3A : memref<!tpu.dma_semaphore, #tpu.memory_space<semaphore_mem>>) src(%dma_wait3A_32 : memref<125x144xf32, #tpu.memory_space<vmem_shared>>) dst(%arg10 : memref<125x144xf32, #tpu.memory_space<vmem>>)
        tpu.yield
      }) : () -> ()
      "tpu.region"() ({
        %run_scoped3A = tpu.sem_alloc : memref<!tpu.dma_semaphore, #tpu.memory_space<semaphore_mem>>
        %dma_start3A = arith.constant 0 : i32
        %dma_start3A_27 = tpu.memref_slice %arg6[%arg0, %add3A_26, %dma_start3A] : memref<2x10000x144xf32, #tpu.memory_space<hbm>> -> memref<1x125x144xf32, #tpu.memory_space<hbm>>
        %dma_start3A_28 = tpu.memref_squeeze %dma_start3A_27 : memref<1x125x144xf32, #tpu.memory_space<hbm>> -> memref<125x144xf32, #tpu.memory_space<hbm>>
        %dma_start3A_29 = arith.constant 0 : i32
        %dma_start3A_30 = tpu.memref_slice %arg6[%arg0, %add3A_26, %dma_start3A_29] : memref<2x10000x144xf32, #tpu.memory_space<hbm>> -> memref<1x125x144xf32, #tpu.memory_space<hbm>>
        %dma_start3A_31 = tpu.memref_squeeze %dma_start3A_30 : memref<1x125x144xf32, #tpu.memory_space<hbm>> -> memref<125x144xf32, #tpu.memory_space<hbm>>
        tpu.enqueue_dma source(%arg10 : memref<125x144xf32, #tpu.memory_space<vmem>>) target(%dma_start3A_31 : memref<125x144xf32, #tpu.memory_space<hbm>>) target_semaphore(%run_scoped3A : memref<!tpu.dma_semaphore, #tpu.memory_space<semaphore_mem>>)
        %dma_wait3A = arith.constant 0 : i32
        %dma_wait3A_32 = tpu.memref_slice %arg6[%arg0, %add3A_26, %dma_wait3A] : memref<2x10000x144xf32, #tpu.memory_space<hbm>> -> memref<1x125x144xf32, #tpu.memory_space<hbm>>
        %dma_wait3A_33 = tpu.memref_squeeze %dma_wait3A_32 : memref<1x125x144xf32, #tpu.memory_space<hbm>> -> memref<125x144xf32, #tpu.memory_space<hbm>>
        %dma_wait3A_34 = arith.constant 0 : i32
        %dma_wait3A_35 = tpu.memref_slice %arg6[%arg0, %add3A_26, %dma_wait3A_34] : memref<2x10000x144xf32, #tpu.memory_space<hbm>> -> memref<1x125x144xf32, #tpu.memory_space<hbm>>
        %dma_wait3A_36 = tpu.memref_squeeze %dma_wait3A_35 : memref<1x125x144xf32, #tpu.memory_space<hbm>> -> memref<125x144xf32, #tpu.memory_space<hbm>>
        tpu.wait_dma2 semaphore(%run_scoped3A : memref<!tpu.dma_semaphore, #tpu.memory_space<semaphore_mem>>) src(%arg10 : memref<125x144xf32, #tpu.memory_space<vmem>>) dst(%dma_wait3A_36 : memref<125x144xf32, #tpu.memory_space<hbm>>)
        tpu.yield
      }) : () -> ()
    }
    %scan3A_20 = arith.constant 5 : i32
    return
  }
}

#map = affine_map<(d0, d1) -> (0, 0)>
#map1 = affine_map<(d0, d1) -> (0, 0, 0)>
module attributes {stable_mosaic.version = 14 : i64} {
  func.func @body(%arg0: i32, %arg1: i32, %arg2: memref<10000x64xf32, #tpu.memory_space<hbm>>, %arg3: memref<4000x80xi32, #tpu.memory_space<hbm>>, %arg4: memref<4000x80xi32, #tpu.memory_space<hbm>>, %arg5: memref<125x64xf32, #tpu.memory_space<hbm>>, %arg6: memref<2x10000x64xf32, #tpu.memory_space<hbm>>, %arg7: memref<80xi32, #tpu.memory_space<vmem>>, %arg8: memref<80xi32, #tpu.memory_space<vmem>>, %arg9: memref<80x64xf32, #tpu.memory_space<vmem>>, %arg10: memref<125x64xf32, #tpu.memory_space<vmem>>, %arg11: memref<10000x64xf32, #tpu.memory_space<vmem_shared>>, %arg12: memref<!tpu.dma_semaphore, #tpu.memory_space<semaphore_mem>>) attributes {dimension_semantics = [#tpu.dimension_semantics<core_parallel>, #tpu.dimension_semantics<subcore_parallel>], iteration_bounds = array<i64: 2, 16>, scalar_prefetch = 0 : i64, scratch_operands = 6 : i64, tpu.core_type = #tpu.core_type<sc_vector_subcore>, window_params = [{transform_indices = #map}, {transform_indices = #map}, {transform_indices = #map}, {transform_indices = #map}, {transform_indices = #map1}]} {
    %mul3A = arith.constant 2 : i32
    %mul3A_0 = arith.muli %arg1, %mul3A : i32
    %add3A = arith.addi %mul3A_0, %arg0 : i32
    "tpu.region"() ({
      %run_scoped3A = tpu.sem_alloc : memref<!tpu.dma_semaphore, #tpu.memory_space<semaphore_mem>>
      tpu.enqueue_dma source(%arg5 : memref<125x64xf32, #tpu.memory_space<hbm>>) target(%arg10 : memref<125x64xf32, #tpu.memory_space<vmem>>) target_semaphore(%run_scoped3A : memref<!tpu.dma_semaphore, #tpu.memory_space<semaphore_mem>>)
      tpu.wait_dma2 semaphore(%run_scoped3A : memref<!tpu.dma_semaphore, #tpu.memory_space<semaphore_mem>>) src(%arg5 : memref<125x64xf32, #tpu.memory_space<hbm>>) dst(%arg10 : memref<125x64xf32, #tpu.memory_space<vmem>>)
      tpu.yield
    }) : () -> ()
    %scan3A = arith.constant 0 : i32
    %scan3A_1 = arith.constant 0 : i32
    %scan3A_2 = arith.constant 5 : i32
    %scan3A_3 = arith.addi %scan3A_1, %scan3A_2 : i32
    %scan3A_4 = arith.constant 1 : i32
    scf.for %scan3A_21 = %scan3A_1 to %scan3A_3 step %scan3A_4  : i32 {
      %mul3A_22 = arith.constant 625 : i32
      %mul3A_23 = arith.muli %arg1, %mul3A_22 : i32
      %mul3A_24 = arith.constant 125 : i32
      %mul3A_25 = arith.muli %scan3A_21, %mul3A_24 : i32
      %add3A_26 = arith.addi %mul3A_23, %mul3A_25 : i32
      "tpu.region"() ({
        %run_scoped3A = tpu.sem_alloc : memref<!tpu.dma_semaphore, #tpu.memory_space<semaphore_mem>>
        %dma_start3A = arith.constant 0 : i32
        %dma_start3A_27 = tpu.memref_slice %arg11[%add3A_26, %dma_start3A] : memref<10000x64xf32, #tpu.memory_space<vmem_shared>> -> memref<125x64xf32, #tpu.memory_space<vmem_shared>>
        %dma_start3A_28 = arith.constant 0 : i32
        %dma_start3A_29 = tpu.memref_slice %arg11[%add3A_26, %dma_start3A_28] : memref<10000x64xf32, #tpu.memory_space<vmem_shared>> -> memref<125x64xf32, #tpu.memory_space<vmem_shared>>
        tpu.enqueue_dma source(%arg10 : memref<125x64xf32, #tpu.memory_space<vmem>>) target(%dma_start3A_29 : memref<125x64xf32, #tpu.memory_space<vmem_shared>>) target_semaphore(%run_scoped3A : memref<!tpu.dma_semaphore, #tpu.memory_space<semaphore_mem>>)
        %dma_wait3A = arith.constant 0 : i32
        %dma_wait3A_30 = tpu.memref_slice %arg11[%add3A_26, %dma_wait3A] : memref<10000x64xf32, #tpu.memory_space<vmem_shared>> -> memref<125x64xf32, #tpu.memory_space<vmem_shared>>
        %dma_wait3A_31 = arith.constant 0 : i32
        %dma_wait3A_32 = tpu.memref_slice %arg11[%add3A_26, %dma_wait3A_31] : memref<10000x64xf32, #tpu.memory_space<vmem_shared>> -> memref<125x64xf32, #tpu.memory_space<vmem_shared>>
        tpu.wait_dma2 semaphore(%run_scoped3A : memref<!tpu.dma_semaphore, #tpu.memory_space<semaphore_mem>>) src(%arg10 : memref<125x64xf32, #tpu.memory_space<vmem>>) dst(%dma_wait3A_32 : memref<125x64xf32, #tpu.memory_space<vmem_shared>>)
        tpu.yield
      }) : () -> ()
    }
    %scan3A_5 = arith.constant 5 : i32
    %barrier3A = arith.constant 0 : index
    tpu.barrier barrier_id(%barrier3A)
    %mul3A_6 = arith.constant 125 : i32
    %mul3A_7 = arith.muli %add3A, %mul3A_6 : i32
    %scan3A_8 = arith.constant 0 : i32
    %scan3A_9 = arith.constant 0 : i32
    %scan3A_10 = arith.constant 125 : i32
    %scan3A_11 = arith.addi %scan3A_9, %scan3A_10 : i32
    %scan3A_12 = arith.constant 1 : i32
    scf.for %scan3A_21 = %scan3A_9 to %scan3A_11 step %scan3A_12  : i32 {
      %add3A_22 = arith.addi %mul3A_7, %scan3A_21 : i32
      "tpu.region"() ({
        %run_scoped3A = tpu.sem_alloc : memref<!tpu.dma_semaphore, #tpu.memory_space<semaphore_mem>>
        %dma_start3A_28 = arith.constant 0 : i32
        %dma_start3A_29 = tpu.memref_slice %arg3[%add3A_22, %dma_start3A_28] : memref<4000x80xi32, #tpu.memory_space<hbm>> -> memref<1x80xi32, #tpu.memory_space<hbm>>
        %dma_start3A_30 = tpu.memref_squeeze %dma_start3A_29 : memref<1x80xi32, #tpu.memory_space<hbm>> -> memref<80xi32, #tpu.memory_space<hbm>>
        %dma_start3A_31 = arith.constant 0 : i32
        %dma_start3A_32 = tpu.memref_slice %arg3[%add3A_22, %dma_start3A_31] : memref<4000x80xi32, #tpu.memory_space<hbm>> -> memref<1x80xi32, #tpu.memory_space<hbm>>
        %dma_start3A_33 = tpu.memref_squeeze %dma_start3A_32 : memref<1x80xi32, #tpu.memory_space<hbm>> -> memref<80xi32, #tpu.memory_space<hbm>>
        tpu.enqueue_dma source(%dma_start3A_33 : memref<80xi32, #tpu.memory_space<hbm>>) target(%arg7 : memref<80xi32, #tpu.memory_space<vmem>>) target_semaphore(%run_scoped3A : memref<!tpu.dma_semaphore, #tpu.memory_space<semaphore_mem>>)
        %dma_wait3A_34 = arith.constant 0 : i32
        %dma_wait3A_35 = tpu.memref_slice %arg3[%add3A_22, %dma_wait3A_34] : memref<4000x80xi32, #tpu.memory_space<hbm>> -> memref<1x80xi32, #tpu.memory_space<hbm>>
        %dma_wait3A_36 = tpu.memref_squeeze %dma_wait3A_35 : memref<1x80xi32, #tpu.memory_space<hbm>> -> memref<80xi32, #tpu.memory_space<hbm>>
        %dma_wait3A_37 = arith.constant 0 : i32
        %dma_wait3A_38 = tpu.memref_slice %arg3[%add3A_22, %dma_wait3A_37] : memref<4000x80xi32, #tpu.memory_space<hbm>> -> memref<1x80xi32, #tpu.memory_space<hbm>>
        %dma_wait3A_39 = tpu.memref_squeeze %dma_wait3A_38 : memref<1x80xi32, #tpu.memory_space<hbm>> -> memref<80xi32, #tpu.memory_space<hbm>>
        tpu.wait_dma2 semaphore(%run_scoped3A : memref<!tpu.dma_semaphore, #tpu.memory_space<semaphore_mem>>) src(%dma_wait3A_39 : memref<80xi32, #tpu.memory_space<hbm>>) dst(%arg7 : memref<80xi32, #tpu.memory_space<vmem>>)
        tpu.yield
      }) : () -> ()
      %add3A_23 = arith.addi %mul3A_7, %scan3A_21 : i32
      "tpu.region"() ({
        %run_scoped3A = tpu.sem_alloc : memref<!tpu.dma_semaphore, #tpu.memory_space<semaphore_mem>>
        %dma_start3A_28 = arith.constant 0 : i32
        %dma_start3A_29 = tpu.memref_slice %arg4[%add3A_23, %dma_start3A_28] : memref<4000x80xi32, #tpu.memory_space<hbm>> -> memref<1x80xi32, #tpu.memory_space<hbm>>
        %dma_start3A_30 = tpu.memref_squeeze %dma_start3A_29 : memref<1x80xi32, #tpu.memory_space<hbm>> -> memref<80xi32, #tpu.memory_space<hbm>>
        %dma_start3A_31 = arith.constant 0 : i32
        %dma_start3A_32 = tpu.memref_slice %arg4[%add3A_23, %dma_start3A_31] : memref<4000x80xi32, #tpu.memory_space<hbm>> -> memref<1x80xi32, #tpu.memory_space<hbm>>
        %dma_start3A_33 = tpu.memref_squeeze %dma_start3A_32 : memref<1x80xi32, #tpu.memory_space<hbm>> -> memref<80xi32, #tpu.memory_space<hbm>>
        tpu.enqueue_dma source(%dma_start3A_33 : memref<80xi32, #tpu.memory_space<hbm>>) target(%arg8 : memref<80xi32, #tpu.memory_space<vmem>>) target_semaphore(%run_scoped3A : memref<!tpu.dma_semaphore, #tpu.memory_space<semaphore_mem>>)
        %dma_wait3A_34 = arith.constant 0 : i32
        %dma_wait3A_35 = tpu.memref_slice %arg4[%add3A_23, %dma_wait3A_34] : memref<4000x80xi32, #tpu.memory_space<hbm>> -> memref<1x80xi32, #tpu.memory_space<hbm>>
        %dma_wait3A_36 = tpu.memref_squeeze %dma_wait3A_35 : memref<1x80xi32, #tpu.memory_space<hbm>> -> memref<80xi32, #tpu.memory_space<hbm>>
        %dma_wait3A_37 = arith.constant 0 : i32
        %dma_wait3A_38 = tpu.memref_slice %arg4[%add3A_23, %dma_wait3A_37] : memref<4000x80xi32, #tpu.memory_space<hbm>> -> memref<1x80xi32, #tpu.memory_space<hbm>>
        %dma_wait3A_39 = tpu.memref_squeeze %dma_wait3A_38 : memref<1x80xi32, #tpu.memory_space<hbm>> -> memref<80xi32, #tpu.memory_space<hbm>>
        tpu.wait_dma2 semaphore(%run_scoped3A : memref<!tpu.dma_semaphore, #tpu.memory_space<semaphore_mem>>) src(%dma_wait3A_39 : memref<80xi32, #tpu.memory_space<hbm>>) dst(%arg8 : memref<80xi32, #tpu.memory_space<vmem>>)
        tpu.yield
      }) : () -> ()
      %dma_start3A = arith.constant 0 : i32
      %dma_start3A_24 = arith.constant 0 : i32
      %dma_start3A_25 = tpu.memref_slice %arg2[%dma_start3A, %dma_start3A_24] : memref<10000x64xf32, #tpu.memory_space<hbm>> -> memref<10000x64xf32, #tpu.memory_space<hbm>>
      tpu.enqueue_indirect_dma source(%dma_start3A_25 : memref<10000x64xf32, #tpu.memory_space<hbm>>) target(%arg9 : memref<80x64xf32, #tpu.memory_space<vmem>>) offsets(%arg7 : memref<80xi32, #tpu.memory_space<vmem>>) semaphore(%arg12 : memref<!tpu.dma_semaphore, #tpu.memory_space<semaphore_mem>>)
      %dma_wait3A = arith.constant 0 : i32
      %dma_wait3A_26 = arith.constant 0 : i32
      %dma_wait3A_27 = tpu.memref_slice %arg2[%dma_wait3A, %dma_wait3A_26] : memref<10000x64xf32, #tpu.memory_space<hbm>> -> memref<10000x64xf32, #tpu.memory_space<hbm>>
      tpu.wait_indirect_dma semaphore(%arg12 : memref<!tpu.dma_semaphore, #tpu.memory_space<semaphore_mem>>) src(%dma_wait3A_27 : memref<10000x64xf32, #tpu.memory_space<hbm>>) dst(%arg9 : memref<80x64xf32, #tpu.memory_space<vmem>>)
      "tpu.region"() ({
        %run_scoped3A = tpu.sem_alloc : memref<!tpu.dma_semaphore, #tpu.memory_space<semaphore_mem>>
        %dma_start3A_28 = arith.constant 0 : i32
        %dma_start3A_29 = arith.constant 0 : i32
        %dma_start3A_30 = tpu.memref_slice %arg11[%dma_start3A_28, %dma_start3A_29] : memref<10000x64xf32, #tpu.memory_space<vmem_shared>> -> memref<10000x64xf32, #tpu.memory_space<vmem_shared>>
        tpu.enqueue_indirect_dma source(%arg9 : memref<80x64xf32, #tpu.memory_space<vmem>>) target(%dma_start3A_30 : memref<10000x64xf32, #tpu.memory_space<vmem_shared>>) offsets(%arg8 : memref<80xi32, #tpu.memory_space<vmem>>) semaphore(%run_scoped3A : memref<!tpu.dma_semaphore, #tpu.memory_space<semaphore_mem>>) {add = true}
        %dma_wait3A_31 = arith.constant 0 : i32
        %dma_wait3A_32 = arith.constant 0 : i32
        %dma_wait3A_33 = tpu.memref_slice %arg11[%dma_wait3A_31, %dma_wait3A_32] : memref<10000x64xf32, #tpu.memory_space<vmem_shared>> -> memref<10000x64xf32, #tpu.memory_space<vmem_shared>>
        tpu.wait_indirect_dma semaphore(%run_scoped3A : memref<!tpu.dma_semaphore, #tpu.memory_space<semaphore_mem>>) src(%arg9 : memref<80x64xf32, #tpu.memory_space<vmem>>) dst(%dma_wait3A_33 : memref<10000x64xf32, #tpu.memory_space<vmem_shared>>)
        tpu.yield
      }) : () -> ()
    }
    %scan3A_13 = arith.constant 125 : i32
    %barrier3A_14 = arith.constant 0 : index
    tpu.barrier barrier_id(%barrier3A_14)
    %scan3A_15 = arith.constant 0 : i32
    %scan3A_16 = arith.constant 0 : i32
    %scan3A_17 = arith.constant 5 : i32
    %scan3A_18 = arith.addi %scan3A_16, %scan3A_17 : i32
    %scan3A_19 = arith.constant 1 : i32
    scf.for %scan3A_21 = %scan3A_16 to %scan3A_18 step %scan3A_19  : i32 {
      %mul3A_22 = arith.constant 625 : i32
      %mul3A_23 = arith.muli %arg1, %mul3A_22 : i32
      %mul3A_24 = arith.constant 125 : i32
      %mul3A_25 = arith.muli %scan3A_21, %mul3A_24 : i32
      %add3A_26 = arith.addi %mul3A_23, %mul3A_25 : i32
      "tpu.region"() ({
        %run_scoped3A = tpu.sem_alloc : memref<!tpu.dma_semaphore, #tpu.memory_space<semaphore_mem>>
        %dma_start3A = arith.constant 0 : i32
        %dma_start3A_27 = tpu.memref_slice %arg11[%add3A_26, %dma_start3A] : memref<10000x64xf32, #tpu.memory_space<vmem_shared>> -> memref<125x64xf32, #tpu.memory_space<vmem_shared>>
        %dma_start3A_28 = arith.constant 0 : i32
        %dma_start3A_29 = tpu.memref_slice %arg11[%add3A_26, %dma_start3A_28] : memref<10000x64xf32, #tpu.memory_space<vmem_shared>> -> memref<125x64xf32, #tpu.memory_space<vmem_shared>>
        tpu.enqueue_dma source(%dma_start3A_29 : memref<125x64xf32, #tpu.memory_space<vmem_shared>>) target(%arg10 : memref<125x64xf32, #tpu.memory_space<vmem>>) target_semaphore(%run_scoped3A : memref<!tpu.dma_semaphore, #tpu.memory_space<semaphore_mem>>)
        %dma_wait3A = arith.constant 0 : i32
        %dma_wait3A_30 = tpu.memref_slice %arg11[%add3A_26, %dma_wait3A] : memref<10000x64xf32, #tpu.memory_space<vmem_shared>> -> memref<125x64xf32, #tpu.memory_space<vmem_shared>>
        %dma_wait3A_31 = arith.constant 0 : i32
        %dma_wait3A_32 = tpu.memref_slice %arg11[%add3A_26, %dma_wait3A_31] : memref<10000x64xf32, #tpu.memory_space<vmem_shared>> -> memref<125x64xf32, #tpu.memory_space<vmem_shared>>
        tpu.wait_dma2 semaphore(%run_scoped3A : memref<!tpu.dma_semaphore, #tpu.memory_space<semaphore_mem>>) src(%dma_wait3A_32 : memref<125x64xf32, #tpu.memory_space<vmem_shared>>) dst(%arg10 : memref<125x64xf32, #tpu.memory_space<vmem>>)
        tpu.yield
      }) : () -> ()
      "tpu.region"() ({
        %run_scoped3A = tpu.sem_alloc : memref<!tpu.dma_semaphore, #tpu.memory_space<semaphore_mem>>
        %dma_start3A = arith.constant 0 : i32
        %dma_start3A_27 = tpu.memref_slice %arg6[%arg0, %add3A_26, %dma_start3A] : memref<2x10000x64xf32, #tpu.memory_space<hbm>> -> memref<1x125x64xf32, #tpu.memory_space<hbm>>
        %dma_start3A_28 = tpu.memref_squeeze %dma_start3A_27 : memref<1x125x64xf32, #tpu.memory_space<hbm>> -> memref<125x64xf32, #tpu.memory_space<hbm>>
        %dma_start3A_29 = arith.constant 0 : i32
        %dma_start3A_30 = tpu.memref_slice %arg6[%arg0, %add3A_26, %dma_start3A_29] : memref<2x10000x64xf32, #tpu.memory_space<hbm>> -> memref<1x125x64xf32, #tpu.memory_space<hbm>>
        %dma_start3A_31 = tpu.memref_squeeze %dma_start3A_30 : memref<1x125x64xf32, #tpu.memory_space<hbm>> -> memref<125x64xf32, #tpu.memory_space<hbm>>
        tpu.enqueue_dma source(%arg10 : memref<125x64xf32, #tpu.memory_space<vmem>>) target(%dma_start3A_31 : memref<125x64xf32, #tpu.memory_space<hbm>>) target_semaphore(%run_scoped3A : memref<!tpu.dma_semaphore, #tpu.memory_space<semaphore_mem>>)
        %dma_wait3A = arith.constant 0 : i32
        %dma_wait3A_32 = tpu.memref_slice %arg6[%arg0, %add3A_26, %dma_wait3A] : memref<2x10000x64xf32, #tpu.memory_space<hbm>> -> memref<1x125x64xf32, #tpu.memory_space<hbm>>
        %dma_wait3A_33 = tpu.memref_squeeze %dma_wait3A_32 : memref<1x125x64xf32, #tpu.memory_space<hbm>> -> memref<125x64xf32, #tpu.memory_space<hbm>>
        %dma_wait3A_34 = arith.constant 0 : i32
        %dma_wait3A_35 = tpu.memref_slice %arg6[%arg0, %add3A_26, %dma_wait3A_34] : memref<2x10000x64xf32, #tpu.memory_space<hbm>> -> memref<1x125x64xf32, #tpu.memory_space<hbm>>
        %dma_wait3A_36 = tpu.memref_squeeze %dma_wait3A_35 : memref<1x125x64xf32, #tpu.memory_space<hbm>> -> memref<125x64xf32, #tpu.memory_space<hbm>>
        tpu.wait_dma2 semaphore(%run_scoped3A : memref<!tpu.dma_semaphore, #tpu.memory_space<semaphore_mem>>) src(%arg10 : memref<125x64xf32, #tpu.memory_space<vmem>>) dst(%dma_wait3A_36 : memref<125x64xf32, #tpu.memory_space<hbm>>)
        tpu.yield
      }) : () -> ()
    }
    %scan3A_20 = arith.constant 5 : i32
    return
  }
}

module attributes {stable_mosaic.version = 14 : i64} {
  func.func @_prep_body(%arg0: memref<10000x1xi32, #tpu.memory_space<vmem>>, %arg1: memref<10000x1xf32, #tpu.memory_space<vmem>>, %arg2: memref<10000x1xf32, #tpu.memory_space<vmem>>, %arg3: memref<10000x1xf32, #tpu.memory_space<vmem>>, %arg4: memref<10000x64xf32, #tpu.memory_space<vmem>>, %arg5: memref<10000x64xf32, #tpu.memory_space<vmem>>, %arg6: memref<1x64xf32, #tpu.memory_space<vmem>>) attributes {dimension_semantics = [], scalar_prefetch = 0 : i64, scratch_operands = 0 : i64, tpu.core_type = #tpu.core_type<tc>} {
    %iota3A = tpu.iota {dimensions = array<i32: 1>} : vector<1x64xi32>
    %get3A = arith.constant 0 : index
    %get3A_0 = arith.constant 0 : index
    %get3A_1 = vector.load %arg0[%get3A, %get3A_0] : memref<10000x1xi32, #tpu.memory_space<vmem>>, vector<10000x1xi32>
    %eq3A = vector.broadcast %get3A_1 : vector<10000x1xi32> to vector<10000x64xi32>
    %eq3A_2 = vector.broadcast %iota3A : vector<1x64xi32> to vector<10000x64xi32>
    %eq3A_3 = arith.cmpi eq, %eq3A, %eq3A_2 : vector<10000x64xi32>
    %convert_element_type3A = arith.extui %eq3A_3 : vector<10000x64xi1> to vector<10000x64xi32>
    %convert_element_type3A_4 = arith.sitofp %convert_element_type3A : vector<10000x64xi32> to vector<10000x64xf32>
    %reduce_sum3A = arith.constant dense<0.000000e+00> : vector<64xf32>
    %reduce_sum3A_5 = vector.multi_reduction <add>, %convert_element_type3A_4, %reduce_sum3A [0] : vector<10000x64xf32> to vector<64xf32>
    %broadcast_in_dim3A = vector.shape_cast %reduce_sum3A_5 : vector<64xf32> to vector<1x64xf32>
    %max3A = arith.constant 1.000000e+00 : f32
    %max3A_6 = vector.broadcast %max3A : f32 to vector<1x64xf32>
    %max3A_7 = arith.maximumf %broadcast_in_dim3A, %max3A_6 : vector<1x64xf32>
    %get3A_8 = arith.constant 0 : index
    %get3A_9 = arith.constant 0 : index
    %get3A_10 = vector.load %arg1[%get3A_8, %get3A_9] : memref<10000x1xf32, #tpu.memory_space<vmem>>, vector<10000x1xf32>
    %get3A_11 = arith.constant 0 : index
    %get3A_12 = arith.constant 0 : index
    %get3A_13 = vector.load %arg2[%get3A_11, %get3A_12] : memref<10000x1xf32, #tpu.memory_space<vmem>>, vector<10000x1xf32>
    %add3A = arith.addf %get3A_10, %get3A_13 : vector<10000x1xf32>
    %max3A_14 = arith.constant 1.000000e+00 : f32
    %max3A_15 = vector.broadcast %max3A_14 : f32 to vector<10000x1xf32>
    %max3A_16 = arith.maximumf %add3A, %max3A_15 : vector<10000x1xf32>
    %div3A = arith.constant 1.000000e+00 : f32
    %div3A_17 = vector.broadcast %div3A : f32 to vector<10000x1xf32>
    %div3A_18 = arith.divf %div3A_17, %max3A_16 : vector<10000x1xf32>
    %div3A_19 = vector.broadcast %max3A_7 : vector<1x64xf32> to vector<10000x64xf32>
    %div3A_20 = arith.divf %convert_element_type3A_4, %div3A_19 : vector<10000x64xf32>
    %swap3A = arith.constant 0 : index
    %swap3A_21 = arith.constant 0 : index
    %swap3A_22 = vector.load %arg3[%swap3A, %swap3A_21] : memref<10000x1xf32, #tpu.memory_space<vmem>>, vector<10000x1xf32>
    tpu.vector_store %arg3[%swap3A, %swap3A_21], %div3A_18 {strides = array<i32>} : memref<10000x1xf32, #tpu.memory_space<vmem>>, vector<10000x1xf32>,
    %swap3A_23 = arith.constant 0 : index
    %swap3A_24 = arith.constant 0 : index
    %swap3A_25 = vector.load %arg5[%swap3A_23, %swap3A_24] : memref<10000x64xf32, #tpu.memory_space<vmem>>, vector<10000x64xf32>
    tpu.vector_store %arg5[%swap3A_23, %swap3A_24], %div3A_20 {strides = array<i32>} : memref<10000x64xf32, #tpu.memory_space<vmem>>, vector<10000x64xf32>,
    %mul3A = vector.broadcast %div3A_18 : vector<10000x1xf32> to vector<10000x64xf32>
    %mul3A_26 = arith.mulf %div3A_20, %mul3A : vector<10000x64xf32>
    %swap3A_27 = arith.constant 0 : index
    %swap3A_28 = arith.constant 0 : index
    %swap3A_29 = vector.load %arg4[%swap3A_27, %swap3A_28] : memref<10000x64xf32, #tpu.memory_space<vmem>>, vector<10000x64xf32>
    tpu.vector_store %arg4[%swap3A_27, %swap3A_28], %mul3A_26 {strides = array<i32>} : memref<10000x64xf32, #tpu.memory_space<vmem>>, vector<10000x64xf32>,
    %min3A = arith.constant 1.000000e+00 : f32
    %min3A_30 = vector.broadcast %min3A : f32 to vector<1x64xf32>
    %min3A_31 = arith.minimumf %broadcast_in_dim3A, %min3A_30 : vector<1x64xf32>
    %swap3A_32 = arith.constant 0 : index
    %swap3A_33 = arith.constant 0 : index
    %swap3A_34 = vector.load %arg6[%swap3A_32, %swap3A_33] : memref<1x64xf32, #tpu.memory_space<vmem>>, vector<1x64xf32>
    tpu.vector_store %arg6[%swap3A_32, %swap3A_33], %min3A_31 {strides = array<i32>} : memref<1x64xf32, #tpu.memory_space<vmem>>, vector<1x64xf32>,
    return
  }
}

module attributes {stable_mosaic.version = 14 : i64} {
  func.func @_h_body(%arg0: i32, %arg1: memref<1000x128xf32, #tpu.memory_space<vmem>>, %arg2: memref<1000x128xf32, #tpu.memory_space<vmem>>, %arg3: memref<1000x128xf32, #tpu.memory_space<vmem>>, %arg4: memref<1000x1xf32, #tpu.memory_space<vmem>>, %arg5: memref<128x128xf32, #tpu.memory_space<vmem>>, %arg6: memref<128x128xf32, #tpu.memory_space<vmem>>, %arg7: memref<1x128xf32, #tpu.memory_space<vmem>>, %arg8: memref<1000x128xf32, #tpu.memory_space<vmem>>) attributes {dimension_semantics = [#tpu.dimension_semantics<arbitrary>], iteration_bounds = array<i64: 10>, scalar_prefetch = 0 : i64, scratch_operands = 0 : i64, tpu.core_type = #tpu.core_type<tc>, window_params = [{transform_indices = @transform_0, window_bounds = array<i64: 1000, 128>}, {transform_indices = @transform_1, window_bounds = array<i64: 1000, 128>}, {transform_indices = @transform_2, window_bounds = array<i64: 1000, 128>}, {transform_indices = @transform_3, window_bounds = array<i64: 1000, 1>}, {pipeline_mode = #tpu.pipeline_mode<synchronous>, transform_indices = @transform_4, window_bounds = array<i64: 128, 128>}, {pipeline_mode = #tpu.pipeline_mode<synchronous>, transform_indices = @transform_5, window_bounds = array<i64: 128, 128>}, {pipeline_mode = #tpu.pipeline_mode<synchronous>, transform_indices = @transform_6, window_bounds = array<i64: 1, 128>}, {transform_indices = @transform_7, window_bounds = array<i64: 1000, 128>}]} {
    %get3A = arith.constant 0 : index
    %get3A_0 = arith.constant 0 : index
    %get3A_1 = vector.load %arg1[%get3A, %get3A_0] : memref<1000x128xf32, #tpu.memory_space<vmem>>, vector<1000x128xf32>
    %get3A_2 = arith.constant 0 : index
    %get3A_3 = arith.constant 0 : index
    %get3A_4 = vector.load %arg2[%get3A_2, %get3A_3] : memref<1000x128xf32, #tpu.memory_space<vmem>>, vector<1000x128xf32>
    %add3A = arith.addf %get3A_1, %get3A_4 : vector<1000x128xf32>
    %get3A_5 = arith.constant 0 : index
    %get3A_6 = arith.constant 0 : index
    %get3A_7 = vector.load %arg4[%get3A_5, %get3A_6] : memref<1000x1xf32, #tpu.memory_space<vmem>>, vector<1000x1xf32>
    %mul3A = vector.broadcast %get3A_7 : vector<1000x1xf32> to vector<1000x128xf32>
    %mul3A_8 = arith.mulf %add3A, %mul3A : vector<1000x128xf32>
    %get3A_9 = arith.constant 0 : index
    %get3A_10 = arith.constant 0 : index
    %get3A_11 = vector.load %arg5[%get3A_9, %get3A_10] : memref<128x128xf32, #tpu.memory_space<vmem>>, vector<128x128xf32>
    %dot_general3A = arith.constant dense<0.000000e+00> : vector<1000x128xf32>
    %dot_general3A_12 = tpu.matmul %mul3A_8, %get3A_11, %dot_general3A {dimension_numbers = #tpu.dot_dimension_numbers<[1], [0], [0], [1], [0, 0, 1, 1], [], []>, precision = #tpu.contract_precision<fp32>, transpose_lhs_hint = false} : vector<1000x128xf32>, vector<128x128xf32>, vector<1000x128xf32> -> vector<1000x128xf32>
    %get3A_13 = arith.constant 0 : index
    %get3A_14 = arith.constant 0 : index
    %get3A_15 = vector.load %arg3[%get3A_13, %get3A_14] : memref<1000x128xf32, #tpu.memory_space<vmem>>, vector<1000x128xf32>
    %get3A_16 = arith.constant 0 : index
    %get3A_17 = arith.constant 0 : index
    %get3A_18 = vector.load %arg6[%get3A_16, %get3A_17] : memref<128x128xf32, #tpu.memory_space<vmem>>, vector<128x128xf32>
    %dot_general3A_19 = arith.constant dense<0.000000e+00> : vector<1000x128xf32>
    %dot_general3A_20 = tpu.matmul %get3A_15, %get3A_18, %dot_general3A_19 {dimension_numbers = #tpu.dot_dimension_numbers<[1], [0], [0], [1], [0, 0, 1, 1], [], []>, precision = #tpu.contract_precision<fp32>, transpose_lhs_hint = false} : vector<1000x128xf32>, vector<128x128xf32>, vector<1000x128xf32> -> vector<1000x128xf32>
    %add3A_21 = arith.addf %dot_general3A_12, %dot_general3A_20 : vector<1000x128xf32>
    %get3A_22 = arith.constant 0 : index
    %get3A_23 = arith.constant 0 : index
    %get3A_24 = vector.load %arg7[%get3A_22, %get3A_23] : memref<1x128xf32, #tpu.memory_space<vmem>>, vector<1x128xf32>
    %add3A_25 = vector.broadcast %get3A_24 : vector<1x128xf32> to vector<1000x128xf32>
    %add3A_26 = arith.addf %add3A_21, %add3A_25 : vector<1000x128xf32>
    %max3A = arith.constant 0.000000e+00 : f32
    %max3A_27 = vector.broadcast %max3A : f32 to vector<1000x128xf32>
    %max3A_28 = arith.maximumf %add3A_26, %max3A_27 : vector<1000x128xf32>
    %swap3A = arith.constant 0 : index
    %swap3A_29 = arith.constant 0 : index
    %swap3A_30 = vector.load %arg8[%swap3A, %swap3A_29] : memref<1000x128xf32, #tpu.memory_space<vmem>>, vector<1000x128xf32>
    tpu.vector_store %arg8[%swap3A, %swap3A_29], %max3A_28 {strides = array<i32>} : memref<1000x128xf32, #tpu.memory_space<vmem>>, vector<1000x128xf32>,
    return
  }
  func.func @transform_0(%arg0: i32) -> (i32, i32) {
    %c0_i32 = arith.constant 0 : i32
    %c0_i32_0 = arith.constant 0 : i32
    return %arg0, %c0_i32 : i32, i32
  }
  func.func @transform_1(%arg0: i32) -> (i32, i32) {
    %c0_i32 = arith.constant 0 : i32
    %c0_i32_0 = arith.constant 0 : i32
    return %arg0, %c0_i32 : i32, i32
  }
  func.func @transform_2(%arg0: i32) -> (i32, i32) {
    %c0_i32 = arith.constant 0 : i32
    %c0_i32_0 = arith.constant 0 : i32
    return %arg0, %c0_i32 : i32, i32
  }
  func.func @transform_3(%arg0: i32) -> (i32, i32) {
    %c0_i32 = arith.constant 0 : i32
    %c0_i32_0 = arith.constant 0 : i32
    return %arg0, %c0_i32 : i32, i32
  }
  func.func @transform_4(%arg0: i32) -> (i32, i32) {
    %c0_i32 = arith.constant 0 : i32
    %c0_i32_0 = arith.constant 0 : i32
    %c0_i32_1 = arith.constant 0 : i32
    return %c0_i32, %c0_i32_0 : i32, i32
  }
  func.func @transform_5(%arg0: i32) -> (i32, i32) {
    %c0_i32 = arith.constant 0 : i32
    %c0_i32_0 = arith.constant 0 : i32
    %c0_i32_1 = arith.constant 0 : i32
    return %c0_i32, %c0_i32_0 : i32, i32
  }
  func.func @transform_6(%arg0: i32) -> (i32, i32) {
    %c0_i32 = arith.constant 0 : i32
    %c0_i32_0 = arith.constant 0 : i32
    %c0_i32_1 = arith.constant 0 : i32
    return %c0_i32, %c0_i32_0 : i32, i32
  }
  func.func @transform_7(%arg0: i32) -> (i32, i32) {
    %c0_i32 = arith.constant 0 : i32
    %c0_i32_0 = arith.constant 0 : i32
    return %arg0, %c0_i32 : i32, i32
  }
}

module attributes {stable_mosaic.version = 14 : i64} {
  func.func @_final_body(%arg0: i32, %arg1: memref<1000x64xf32, #tpu.memory_space<vmem>>, %arg2: memref<1000x64xf32, #tpu.memory_space<vmem>>, %arg3: memref<1000x64xf32, #tpu.memory_space<vmem>>, %arg4: memref<1000x128xf32, #tpu.memory_space<vmem>>, %arg5: memref<128x128xf32, #tpu.memory_space<vmem>>, %arg6: memref<128x128xf32, #tpu.memory_space<vmem>>, %arg7: memref<1x128xf32, #tpu.memory_space<vmem>>, %arg8: memref<1x64xf32, #tpu.memory_space<vmem>>, %arg9: memref<64x128xf32, #tpu.memory_space<vmem>>, %arg10: memref<128x128xf32, #tpu.memory_space<vmem>>) attributes {dimension_semantics = [#tpu.dimension_semantics<arbitrary>], iteration_bounds = array<i64: 10>, scalar_prefetch = 0 : i64, scratch_operands = 1 : i64, tpu.core_type = #tpu.core_type<tc>, window_params = [{transform_indices = @transform_0, window_bounds = array<i64: 1000, 64>}, {transform_indices = @transform_1, window_bounds = array<i64: 1000, 64>}, {transform_indices = @transform_2, window_bounds = array<i64: 1000, 64>}, {transform_indices = @transform_3, window_bounds = array<i64: 1000, 128>}, {pipeline_mode = #tpu.pipeline_mode<synchronous>, transform_indices = @transform_4, window_bounds = array<i64: 128, 128>}, {pipeline_mode = #tpu.pipeline_mode<synchronous>, transform_indices = @transform_5, window_bounds = array<i64: 128, 128>}, {pipeline_mode = #tpu.pipeline_mode<synchronous>, transform_indices = @transform_6, window_bounds = array<i64: 1, 128>}, {pipeline_mode = #tpu.pipeline_mode<synchronous>, transform_indices = @transform_7, window_bounds = array<i64: 1, 64>}, {pipeline_mode = #tpu.pipeline_mode<synchronous>, transform_indices = @transform_8, window_bounds = array<i64: 64, 128>}]} {
    %eq3A = arith.constant 0 : i32
    %eq3A_0 = arith.cmpi eq, %arg0, %eq3A : i32
    %convert_element_type3A = arith.extui %eq3A_0 : i1 to i32
    %cond3A = arith.constant 0 : i32
    %cond3A_1 = arith.cmpi ne, %convert_element_type3A, %cond3A : i32
    scf.if %cond3A_1 {
      %broadcast_in_dim3A = arith.constant 0.000000e+00 : f32
      %broadcast_in_dim3A_25 = vector.broadcast %broadcast_in_dim3A : f32 to vector<128x128xf32>
      %swap3A_26 = arith.constant 0 : index
      %swap3A_27 = arith.constant 0 : index
      %swap3A_28 = vector.load %arg10[%swap3A_26, %swap3A_27] : memref<128x128xf32, #tpu.memory_space<vmem>>, vector<128x128xf32>
      tpu.vector_store %arg10[%swap3A_26, %swap3A_27], %broadcast_in_dim3A_25 {strides = array<i32>} : memref<128x128xf32, #tpu.memory_space<vmem>>, vector<128x128xf32>,
    } else {
    }
    %get3A = arith.constant 0 : index
    %get3A_2 = arith.constant 0 : index
    %get3A_3 = vector.load %arg1[%get3A, %get3A_2] : memref<1000x64xf32, #tpu.memory_space<vmem>>, vector<1000x64xf32>
    %get3A_4 = arith.constant 0 : index
    %get3A_5 = arith.constant 0 : index
    %get3A_6 = vector.load %arg2[%get3A_4, %get3A_5] : memref<1000x64xf32, #tpu.memory_space<vmem>>, vector<1000x64xf32>
    %add3A = arith.addf %get3A_3, %get3A_6 : vector<1000x64xf32>
    %get3A_7 = arith.constant 0 : index
    %get3A_8 = arith.constant 0 : index
    %get3A_9 = vector.load %arg3[%get3A_7, %get3A_8] : memref<1000x64xf32, #tpu.memory_space<vmem>>, vector<1000x64xf32>
    %concatenate3A = tpu.concatenate %add3A, %get3A_9 in 1 : vector<1000x64xf32>, vector<1000x64xf32> -> vector<1000x128xf32>
    %get3A_10 = arith.constant 0 : index
    %get3A_11 = arith.constant 0 : index
    %get3A_12 = vector.load %arg10[%get3A_10, %get3A_11] : memref<128x128xf32, #tpu.memory_space<vmem>>, vector<128x128xf32>
    %get3A_13 = arith.constant 0 : index
    %get3A_14 = arith.constant 0 : index
    %get3A_15 = vector.load %arg4[%get3A_13, %get3A_14] : memref<1000x128xf32, #tpu.memory_space<vmem>>, vector<1000x128xf32>
    %dot_general3A = arith.constant dense<0.000000e+00> : vector<128x128xf32>
    %dot_general3A_16 = tpu.matmul %concatenate3A, %get3A_15, %dot_general3A {dimension_numbers = #tpu.dot_dimension_numbers<[0], [0], [1], [1], [0, 1, 1, 1], [], []>, precision = #tpu.contract_precision<fp32>, transpose_lhs_hint = false} : vector<1000x128xf32>, vector<1000x128xf32>, vector<128x128xf32> -> vector<128x128xf32>
    %add3A_17 = arith.addf %get3A_12, %dot_general3A_16 : vector<128x128xf32>
    %swap3A = arith.constant 0 : index
    %swap3A_18 = arith.constant 0 : index
    %swap3A_19 = vector.load %arg10[%swap3A, %swap3A_18] : memref<128x128xf32, #tpu.memory_space<vmem>>, vector<128x128xf32>
    tpu.vector_store %arg10[%swap3A, %swap3A_18], %add3A_17 {strides = array<i32>} : memref<128x128xf32, #tpu.memory_space<vmem>>, vector<128x128xf32>,
    %eq3A_20 = arith.constant 9 : i32
    %eq3A_21 = arith.cmpi eq, %arg0, %eq3A_20 : i32
    %convert_element_type3A_22 = arith.extui %eq3A_21 : i1 to i32
    %cond3A_23 = arith.constant 0 : i32
    %cond3A_24 = arith.cmpi ne, %convert_element_type3A_22, %cond3A_23 : i32
    scf.if %cond3A_24 {
      %get3A_25 = arith.constant 0 : index
      %get3A_26 = arith.constant 0 : index
      %get3A_27 = vector.load %arg10[%get3A_25, %get3A_26] : memref<128x128xf32, #tpu.memory_space<vmem>>, vector<128x128xf32>
      %slice3A = vector.extract_strided_slice %get3A_27 {offsets = [0, 0], sizes = [64, 128], strides = [1, 1]} : vector<128x128xf32> to vector<64x128xf32>
      %get3A_28 = arith.constant 0 : index
      %get3A_29 = arith.constant 0 : index
      %get3A_30 = vector.load %arg5[%get3A_28, %get3A_29] : memref<128x128xf32, #tpu.memory_space<vmem>>, vector<128x128xf32>
      %dot_general3A_31 = arith.constant dense<0.000000e+00> : vector<64x128xf32>
      %dot_general3A_32 = tpu.matmul %slice3A, %get3A_30, %dot_general3A_31 {dimension_numbers = #tpu.dot_dimension_numbers<[1], [0], [0], [1], [0, 0, 1, 1], [], []>, precision = #tpu.contract_precision<fp32>, transpose_lhs_hint = false} : vector<64x128xf32>, vector<128x128xf32>, vector<64x128xf32> -> vector<64x128xf32>
      %slice3A_33 = vector.extract_strided_slice %get3A_27 {offsets = [64, 0], sizes = [64, 128], strides = [1, 1]} : vector<128x128xf32> to vector<64x128xf32>
      %get3A_34 = arith.constant 0 : index
      %get3A_35 = arith.constant 0 : index
      %get3A_36 = vector.load %arg6[%get3A_34, %get3A_35] : memref<128x128xf32, #tpu.memory_space<vmem>>, vector<128x128xf32>
      %dot_general3A_37 = arith.constant dense<0.000000e+00> : vector<64x128xf32>
      %dot_general3A_38 = tpu.matmul %slice3A_33, %get3A_36, %dot_general3A_37 {dimension_numbers = #tpu.dot_dimension_numbers<[1], [0], [0], [1], [0, 0, 1, 1], [], []>, precision = #tpu.contract_precision<fp32>, transpose_lhs_hint = false} : vector<64x128xf32>, vector<128x128xf32>, vector<64x128xf32> -> vector<64x128xf32>
      %add3A_39 = arith.addf %dot_general3A_32, %dot_general3A_38 : vector<64x128xf32>
      %get3A_40 = arith.constant 0 : index
      %get3A_41 = arith.constant 0 : index
      %get3A_42 = vector.load %arg8[%get3A_40, %get3A_41] : memref<1x64xf32, #tpu.memory_space<vmem>>, vector<1x64xf32>
      %transpose3A = tpu.transpose %get3A_42, [1, 0] : vector<1x64xf32> -> vector<64x1xf32>
      %get3A_43 = arith.constant 0 : index
      %get3A_44 = arith.constant 0 : index
      %get3A_45 = vector.load %arg7[%get3A_43, %get3A_44] : memref<1x128xf32, #tpu.memory_space<vmem>>, vector<1x128xf32>
      %mul3A = vector.broadcast %transpose3A : vector<64x1xf32> to vector<64x128xf32>
      %mul3A_46 = vector.broadcast %get3A_45 : vector<1x128xf32> to vector<64x128xf32>
      %mul3A_47 = arith.mulf %mul3A, %mul3A_46 : vector<64x128xf32>
      %add3A_48 = arith.addf %add3A_39, %mul3A_47 : vector<64x128xf32>
      %swap3A_49 = arith.constant 0 : index
      %swap3A_50 = arith.constant 0 : index
      %swap3A_51 = vector.load %arg9[%swap3A_49, %swap3A_50] : memref<64x128xf32, #tpu.memory_space<vmem>>, vector<64x128xf32>
      tpu.vector_store %arg9[%swap3A_49, %swap3A_50], %add3A_48 {strides = array<i32>} : memref<64x128xf32, #tpu.memory_space<vmem>>, vector<64x128xf32>,
    } else {
    }
    return
  }
  func.func @transform_0(%arg0: i32) -> (i32, i32) {
    %c0_i32 = arith.constant 0 : i32
    %c0_i32_0 = arith.constant 0 : i32
    return %arg0, %c0_i32 : i32, i32
  }
  func.func @transform_1(%arg0: i32) -> (i32, i32) {
    %c0_i32 = arith.constant 0 : i32
    %c0_i32_0 = arith.constant 0 : i32
    return %arg0, %c0_i32 : i32, i32
  }
  func.func @transform_2(%arg0: i32) -> (i32, i32) {
    %c0_i32 = arith.constant 0 : i32
    %c0_i32_0 = arith.constant 0 : i32
    return %arg0, %c0_i32 : i32, i32
  }
  func.func @transform_3(%arg0: i32) -> (i32, i32) {
    %c0_i32 = arith.constant 0 : i32
    %c0_i32_0 = arith.constant 0 : i32
    return %arg0, %c0_i32 : i32, i32
  }
  func.func @transform_4(%arg0: i32) -> (i32, i32) {
    %c0_i32 = arith.constant 0 : i32
    %c0_i32_0 = arith.constant 0 : i32
    %c0_i32_1 = arith.constant 0 : i32
    return %c0_i32, %c0_i32_0 : i32, i32
  }
  func.func @transform_5(%arg0: i32) -> (i32, i32) {
    %c0_i32 = arith.constant 0 : i32
    %c0_i32_0 = arith.constant 0 : i32
    %c0_i32_1 = arith.constant 0 : i32
    return %c0_i32, %c0_i32_0 : i32, i32
  }
  func.func @transform_6(%arg0: i32) -> (i32, i32) {
    %c0_i32 = arith.constant 0 : i32
    %c0_i32_0 = arith.constant 0 : i32
    %c0_i32_1 = arith.constant 0 : i32
    return %c0_i32, %c0_i32_0 : i32, i32
  }
  func.func @transform_7(%arg0: i32) -> (i32, i32) {
    %c0_i32 = arith.constant 0 : i32
    %c0_i32_0 = arith.constant 0 : i32
    %c0_i32_1 = arith.constant 0 : i32
    return %c0_i32, %c0_i32_0 : i32, i32
  }
  func.func @transform_8(%arg0: i32) -> (i32, i32) {
    %c0_i32 = arith.constant 0 : i32
    %c0_i32_0 = arith.constant 0 : i32
    %c0_i32_1 = arith.constant 0 : i32
    return %c0_i32, %c0_i32_0 : i32, i32
  }
}

</mosaic_0001>

<sc_bundles>
// kernel: kernel.10.cloned.1.call-start
scs
__scs_entry_jumppad:
0x0: {  	(pc) =	sbr.rel $0x88, $3  }
0x1: {  	(tag) =	ssettag $0x0;
	lr =	simm.s32 $0x1  }
0x2: {  	[smem:$0x3F98] =	sst lr;
	_ =	strace $0xD0000000  }
0x3: {  	_ = 	snop  }
0x4: {  	_ = 	snop  }
0x5: {  	_ = 	snop  }
0x6: {  	_ = 	snop  }
0x7: {  	_ = 	snop  }
__scs_overlays_trampoline_lowered:
0x8: {  	[smem:$0x3FA7] =	sst s0  }
0x9: {  	[smem:$0x3FA8] =	sst s1  }
0xa: {  	[smem:$0x3FA9] =	sst s2  }
0xb: {  	[smem:$0x3FAA] =	sst s3  }
0xc: {  	[smem:$0x3FAB] =	sst s4  }
0xd: {  	[smem:$0x3FAC] =	sst s5  }
0xe: {  	[smem:$0x3FAD] =	sst s6  }
0xf: {  	[smem:$0x3FAE] =	sst s7  }
0x10: {  	[smem:$0x3FAF] =	sst s8  }
0x11: {  	[smem:$0x3FB0] =	sst s9;
	s0 =	simm.s32 @!p0 $0x0  }
0x12: {  	s1 =	sld [smem:$0x3F96];
	s0 =	simm.s32 @p0 $0x1  }
0x13: {  	[smem:$0x3FB1] =	sst s0;
	s0 =	simm.s32 @!p1 $0x0  }
0x14: {  	s2 =	sld [smem:$0x3F95];
	s0 =	simm.s32 @p1 $0x1  }
0x15: {  	[smem:$0x3FB2] =	sst s0;
	s0 =	simm.s32 @!p2 $0x0  }
0x16: {  	s3 =	sld [smem:$0x3FDB];
	s0 =	simm.s32 @p2 $0x1  }
0x17: {  	s4 =	simm.s32 $0x1BF5;
	[smem:$0x3FB4] =	sst s0  }
0x18: {  	s0 =	sld [smem:$0x3F97];
	_ =	swait.ge [sflag:s4], $0x0  }
0x19: {  	s7 =	sld [smem:$0x3F98]  }
0x1a: {  	s8 =	sadd.s32 $0xFFFFE003, lr  }
0x1b: {  	s9 =	sadd.s32 $0xFFFFFEF7, lr;
	s5 =	simm.s32 $0xFFFFFFFF;
	p2 =	slt.u32 s8, $0xFFFFF086  }
0x1c: {  	p1 =	slt.u32 s9, $0xF7A;
	s5 =	simm.s32 @!p2 $0x0  }
0x1d: {  	s5 =	simm.s32 @p1 $0x1;
	p0 =	seq.s32 s7, s2  }
0x1e: {  	s7 =	smul.u32 @!p0 $0xF7A, s2;
	p2 =	seq.s32 @!p0 s5, $0x0  }
0x1f: {  	s9 =	smul.u32 $0xF7A, s1;
	s8 =	simm.s32 @!p0 $0x1BF5;
	p2 =	por !p2, p0  }
0x20: {  	[sflag:s8] =	ssyncset.s32 @!p0 $0xFFFFF086;
	s6 =	sadd.s32 @!p0 s3, s7;
	s7 =	simm.s32 @!p0 $0x108  }
0x21: {  	s3 =	sadd.s32 s3, s9;
	s6 =	sadd.s32 @!p0 $0x88, s6;
	s7 =	simm.s32 @p2 $0x1082  }
0x22: {  	[simem:s7], [sflag:s8] =	dma.local @!p0 [hbm:s6], $0xF7A  }
0x23: {  	s9 =	sor.u32 $0xD0000000, s2;
	s6 =	simm.s32 $0x108;
	_ =	swait.ge @!p0 [sflag:s8], $0x0  }
0x24: {  	s3 =	sadd.s32 $0x88, s3;
	s6 =	simm.s32 @!p1 $0x1082;
	[sflag:s4] =	ssyncset.s32 $0xFFFFF086  }
0x25: {  	[simem:s6], [sflag:s4] =	dma.local [hbm:s3], $0xF7A  }
0x26: {  	[smem:$0x3F98] =	sst s1;
	(tag) =	ssettag s2;
	_ =	strace s9  }
0x27: {  	s1 =	sld [smem:$0x3FA8]  }
0x28: {  	s2 =	sld [smem:$0x3FA9]  }
0x29: {  	s4 =	sld [smem:$0x3FAB]  }
0x2a: {  	p0 =	seq.s32 s5, $0x0;
	s5 =	sld [smem:$0x3FAC]  }
0x2b: {  	s6 =	sld [smem:$0x3FAD]  }
0x2c: {  	s7 =	sld [smem:$0x3FAE]  }
0x2d: {  	s3 =	simm.s32 $0x108;
	s8 =	sld [smem:$0x3FAF]  }
0x2e: {  	s3 =	simm.s32 @!p0 $0x1082;
	s9 =	sld [smem:$0x3FB0]  }
0x2f: {  	lr =	sadd.s32 s0, s3;
	s0 =	sld [smem:$0x3FA7]  }
0x30: {  	s3 =	sld [smem:$0x3FAA]  }
0x31: {  	[smem:$0x3FB3] =	sst s10  }
0x32: {  	s10 =	sld [smem:$0x3FB1];
	_ =	sdelay $0x3  }
0x33: {  	p0 =	seq.s32 s10, $0x1;
	s10 =	sld [smem:$0x3FB3];
	_ =	sdelay $0x3  }
0x34: {  	[smem:$0x3FB3] =	sst s10  }
0x35: {  	s10 =	sld [smem:$0x3FB2];
	_ =	sdelay $0x3  }
0x36: {  	p1 =	seq.s32 s10, $0x1;
	s10 =	sld [smem:$0x3FB3];
	_ =	sdelay $0x3  }
0x37: {  	[smem:$0x3FB3] =	sst s10  }
0x38: {  	s10 =	sld [smem:$0x3FB4]  }
0x39: {  	_ = 	snop;
	(pc) =	sbr.ind lr, $3  }
0x3a: {  	_ = 	snop  }
0x3b: {  	_ = 	snop  }
0x3c: {  	p2 =	seq.s32 s10, $0x1;
	s10 =	sld [smem:$0x3FB3]  }
0x3d: {  	_ =	shalt  }
0x3e: {  	_ =	shalt  }
0x3f: {  	_ =	shalt  }
0x40: {  	_ =	shalt  }
0x41: {  	_ =	shalt  }
0x42: {  	_ =	shalt  }
0x43: {  	_ =	shalt  }
0x44: {  	_ =	shalt  }
0x45: {  	_ =	shalt  }
0x46: {  	_ =	shalt  }
0x47: {  	_ =	shalt  }
0x48: {  	_ =	shalt  }
0x49: {  	_ =	shalt  }
0x4a: {  	_ =	shalt  }
0x4b: {  	_ =	shalt  }
0x4c: {  	_ =	shalt  }
0x4d: {  	_ =	shalt  }
0x4e: {  	_ =	shalt  }
0x4f: {  	_ =	shalt  }
0x50: {  	_ =	shalt  }
0x51: {  	_ =	shalt  }
0x52: {  	_ =	shalt  }
0x53: {  	_ =	shalt  }
0x54: {  	_ =	shalt  }
0x55: {  	_ =	shalt  }
0x56: {  	_ =	shalt  }
0x57: {  	_ =	shalt  }
0x58: {  	_ =	shalt  }
0x59: {  	_ =	shalt  }
0x5a: {  	_ =	shalt  }
0x5b: {  	_ =	shalt  }
0x5c: {  	_ =	shalt  }
0x5d: {  	_ =	shalt  }
0x5e: {  	_ =	shalt  }
0x5f: {  	_ =	shalt  }
0x60: {  	_ =	shalt  }
0x61: {  	_ =	shalt  }
0x62: {  	_ =	shalt  }
0x63: {  	_ =	shalt  }
0x64: {  	_ =	shalt  }
0x65: {  	_ =	shalt  }
0x66: {  	_ =	shalt  }
0x67: {  	_ =	shalt  }
0x68: {  	_ =	shalt  }
0x69: {  	_ =	shalt  }
0x6a: {  	_ =	shalt  }
0x6b: {  	_ =	shalt  }
0x6c: {  	_ =	shalt  }
0x6d: {  	_ =	shalt  }
0x6e: {  	_ =	shalt  }
0x6f: {  	_ =	shalt  }
0x70: {  	_ =	shalt  }
0x71: {  	_ =	shalt  }
0x72: {  	_ =	shalt  }
0x73: {  	_ =	shalt  }
0x74: {  	_ =	shalt  }
0x75: {  	_ =	shalt  }
0x76: {  	_ =	shalt  }
0x77: {  	_ =	shalt  }
0x78: {  	_ =	shalt  }
0x79: {  	_ =	shalt  }
0x7a: {  	_ =	shalt  }
0x7b: {  	_ =	shalt  }
0x7c: {  	_ =	shalt  }
0x7d: {  	_ =	shalt  }
0x7e: {  	_ =	shalt  }
0x7f: {  	_ =	shalt  }
0x80: {  	_ =	shalt  }
0x81: {  	_ =	shalt  }
0x82: {  	_ =	shalt  }
0x83: {  	_ =	shalt  }
0x84: {  	_ =	shalt  }
0x85: {  	_ =	shalt  }
0x86: {  	_ =	shalt  }
0x87: {  	_ =	shalt  }
.Lfunc_end0:
.L_simem_size_0:
called_computation.1_lowered:
.L_overlay_start_0:
0x88: {  	s2 =	sld [smem:$0x3FD9]  }
0x89: {  	s3 =	sld [smem:$0x3FFE];
	_ =	sdelay $0x1  }
0x8a: {  	s1 =	srdreg.scid  }
0x8b: {  	s0 =	sand.u32 $0x1, s1  }
0x8c: {  	s17 =	sshll.u32 s0, $0xA;
	s2 =	sadd.s32 s3, s2  }
0x8d: {  	s2 =	sadd.s32 s2, s17  }
0x8e: {  	[smem:$0x3FBF] =	sst s2  }
0x8f: {  	_ = 	snop  }
0x90: {  	s2 =	sld [smem:$0x3FD0];
	(tm) =	ssettm $0x1  }
0x91: {  	s18 =	sld [smem:$0x3FFB];
	_ =	sdelay $0x3  }
0x92: {  	_ =	strace s18  }
0x93: {  	s3 =	sld [smem:$0x3FFC];
	_ =	sdelay $0x3  }
0x94: {  	_ =	strace s3  }
0x95: {  	s3 =	sld [smem:$0x3FFD];
	_ =	sdelay $0x3  }
0x96: {  	_ =	strace s3  }
0x97: {  	_ =	strace $0x8FFFFFFF  }
0x98: {  	s19 =	sld [smem:$0x3FDB];
	_ =	sdelay $0x1  }
0x99: {  	s4 =	simm.s32 $_scs_section_size  }
0x9a: {  	s5 =	simm.s32 $_size__tile_overlayer_lowered;
	s6 =	simm.s32 $_tile_overlayer_lowered  }
0x9b: {  	s22 =	simm.s32 $0x1BFF;
	s21 =	sshll.u32 s6, $0x1;
	s3 =	sadd.s32 s4, s19  }
0x9c: {  	s7 =	simm.s32 $0x0;
	s20 =	sshll.u32 s5, $0x1;
	s5 =	sadd.s32 s21, s3  }
0x9d: {  	[timem:s7], [sflag:s22] =	dma.local [hbm:s5], s20  }
0x9e: {  	_ =	swait.ge [sflag:s22], s20  }
0x9f: {  	s4 =	ssub.s32 $0x0, s20;
	[sflag:s22] =	ssyncset.done $0x0  }
0xa0: {  	[sflag:s22] =	ssyncadd.s32 s4;
	_ =	sdelay $0x1  }
0xa1: {  	s23 =	simm.s32 $0x1B8B  }
0xa2: {  	_ =	swait.ge [sflag:s23], $0x1  }
0xa3: {  	[sflag:s23] =	ssyncset.done $0x0  }
0xa4: {  	s25 =	simm.s32 $0x1B8E;
	s24 =	sld [smem:$0x3FFE];
	[sflag:s23] =	ssyncadd.s32 $0xFFFFFFFF  }
0xa5: {  	s26 =	simm.s32 $execute0_lowered;
	[smem:$0x3FD2] =	sst s25  }
0xa6: {  	s5 =	sshll.u32 s26, $0x1;
	_ =	strace $0x80000049;
	[dreg:$0x1] =	wrdreg $0xFFFFFFFF  }
0xa7: {  	s28 =	simm.s32 $_size_execute0_lowered;
	s3 =	sadd.s32 s3, s5;
	[dreg:$0x0] =	wrdreg $0x0  }
0xa8: {  	s5 =	sshll.u32 s28, $0x1;
	[dreg:$0x2] =	wrdreg s3  }
0xa9: {  	[dreg:$0x3] =	wrdreg s5  }
0xaa: {  	[dreg:$0x4] =	wrdreg $0xC0  }
0xab: {  	_ =	task [dreg:s7], $0x5FFFF  }
0xac: {  	[dreg:$0x1] =	wrdreg $0xFFFFFFFF  }
0xad: {  	[dreg:$0x0] =	wrdreg $0x60  }
0xae: {  	[dreg:$0x2] =	wrdreg s24  }
0xaf: {  	[dreg:$0x3] =	wrdreg s2  }
0xb0: {  	[dreg:$0x4] =	wrdreg $0x33E00  }
0xb1: {  	[dreg:$0x5] =	wrdreg $0x9  }
0xb2: {  	_ =	task.clear_ibuf [dreg:s7], $0x6FFFF;
	_ =	strace $0x90000049  }
0xb3: {  	s29 =	simm.s32 $0x9;
	_ =	strace $0x8000004B  }
0xb4: {  	_ =	swait.ge [sflag:s29], $0x1  }
0xb5: {  	[sflag:s29] =	ssyncadd.s32 $0xFFFFFFFF  }
0xb6: {  	_ =	strace $0x9000004B  }
0xb7: {  	_ =	sfence  }
0xb8: {  	s30 =	sld [smem:$0x0];
	_ =	sdelay $0x2  }
0xb9: {  	s31 =	sshll.u32 s1, $0xD;
	s1 =	sshrl.u32 s1, $0x2  }
0xba: {  	s3 =	sand.u32 $0x4000, s31;
	s1 =	sadd.s32 s1, s30  }
0xbb: {  	s0 =	sor.u32 s3, s0;
	s1 =	sshll.u32 s1, $0x11  }
0xbc: {  	s0 =	sor.u32 s1, s0  }
0xbd: {  	s0 =	sadd.s32 $0x8F2B, s0  }
0xbe: {  	[sflag:s0] =	ssyncadd.remote.s32 $0x1  }
0xbf: {  	_ =	sfence.sel $0xFFFF  }
0xc0: {  	[dreg:$0x0] =	wrdreg $0xFFFFFFFF;
	(pc) =	sbr.abs _section_cstart, $3  }
0xc1: {  	[dreg:$0x1] =	wrdreg $0xFFFFFFFF  }
0xc2: {  	_ =	task.clear_ibuf [dreg:s7], $0x2FFFF;
	_ =	strace $0x9FFFFFFF  }
0xc3: {  	(tm) =	ssettm $0x7FFFFFFF  }
tec
execute0_lowered:
.L_overlay_start_1:
0x0: {  	(tag) =	ssettag $0x1  }
0x1: {  	s6 =	rddreg [dreg:$0x0]  }
0x2: {  	s1 =	rddreg [dreg:$0x1]  }
0x3: {  	s3 =	rddreg [dreg:$0x2];
	s2 =	stileid.u32  }
0x4: {  	s0 =	rddreg [dreg:$0x3];
	s7 =	smul.u32 $0x9C4, s2  }
0x5: {  	s4 =	simm.s32 $0x0;
	s8 =	srdreg.scid;
	s24 =	smul.u32 $0x27100, s2  }
0x6: {  	[smem:$0x7FF] =	sst s4;
	s15 =	sand.u32 $0x1, s8;
	s12 =	smul.u32 $0x9C40, s2  }
0x7: {  	s5 =	sadd.s32 $0x64400, s6;
	s18 =	sadd.s32 $0x136E00, s6;
	s16 =	smul.u32 $0x9C400, s15  }
0x8: {  	_ =	strace $0x8000004A;
	s23 =	ssub.s32 $0x2, s15;
	s26 =	smul.u32 $0x4E2, s15  }
0x9: {  	s17 =	sadd.s32 s7, s6;
	s25 =	sshrl.u32 s23, $0x1;
	s8 =	sshrl.u32 s24, $0x2  }
0xa: {  	s6 =	sadd.s32 s12, s3;
	s13 =	sadd.s32 $0x1F40, s12;
	s19 =	sadd.s32 $0x3E80, s12  }
0xb: {  	s20 =	sadd.s32 $0x5DC0, s12;
	s21 =	sadd.s32 $0x7D00, s12;
	s24 =	simm.s32 $0x1  }
0xc: {  	s7 =	ssub.s32 s23, s25;
	s8 =	sadd.s32 s8, s3;
	s9 =	sadd.s32 s13, s3  }
0xd: {  	s10 =	sadd.s32 s19, s3;
	s11 =	sadd.s32 s20, s3;
	s14 =	sadd.s32 s16, s12  }
0xe: {  	s13 =	sadd.s32 s16, s13;
	s12 =	sadd.s32 s21, s3;
	s19 =	sadd.s32 s16, s19  }
0xf: {  	s20 =	sadd.s32 s16, s20;
	s29 =	sadd.s32 s16, s21;
	s31 =	sadd.s32 s26, s17  }
0x10: {  	s21 =	simm.s32 $0x2;
	s23 =	simm.s32 $0xA0;
	s25 =	simm.s32 $0x0  }
0x11: {  	s7 =	smax.u32 s7, $0x1;
	s14 =	sshrl.u32 s14, $0x3;
	s22 =	sshrl.u32 s13, $0x3  }
0x12: {  	s19 =	sshrl.u32 s19, $0x3;
	s28 =	sshrl.u32 s20, $0x3;
	s30 =	sshrl.u32 s29, $0x3  }
0x13: {  	s20 =	simm.s32 $0x14A0;
	s13 =	sadd.s32 s18, s14;
	s14 =	sadd.s32 s18, s22  }
0x14: {  	s15 =	sadd.s32 s18, s19;
	s16 =	sadd.s32 s18, s28;
	s17 =	sadd.s32 s18, s30  }
0x15: {  	s18 =	sadd.s32 $0x2400, s31;
	s19 =	sadd.s32 $0xC200, s31;
	s22 =	simm.s32 $0x50  }
.LBB2_1:
0x16: {  	[tilespmem:s20], [sflag:$0x2] =	stream.linear.gather [hbm4b:s1+s4], $0x1F40, $0x38;
	[tilespmem:$0xD020] =	vst v63  }
0x17: {  	_ =	swait.ge [sflag:s21], $0x1F40  }
0x18: {  	[sflag:s21] =	ssyncset.done $0x0  }
0x19: {  	[sflag:s21] =	ssyncadd.s32 $0xFFFFE0C0  }
0x1a: {  	[spmem:s8] =	stream.linear.scatter [tilespmem:s20], [sflag:$0x2], $0x1F40, $0x38;
	[tilespmem:$0xD020] =	vst v63  }
0x1b: {  	_ =	swait.ge [sflag:s21], $0x1F40  }
0x1c: {  	[sflag:s21] =	ssyncset.done $0x0  }
0x1d: {  	[sflag:s21] =	ssyncadd.s32 $0xFFFFE0C0  }
0x1e: {  	[spmem:s9] =	stream.linear.scatter [tilespmem:s20], [sflag:$0x2], $0x1F40, $0x38;
	[tilespmem:$0xD020] =	vst v63  }
0x1f: {  	_ =	swait.ge [sflag:s21], $0x1F40  }
0x20: {  	[sflag:s21] =	ssyncset.done $0x0  }
0x21: {  	[sflag:s21] =	ssyncadd.s32 $0xFFFFE0C0  }
0x22: {  	[spmem:s10] =	stream.linear.scatter [tilespmem:s20], [sflag:$0x2], $0x1F40, $0x38;
	[tilespmem:$0xD020] =	vst v63  }
0x23: {  	_ =	swait.ge [sflag:s21], $0x1F40  }
0x24: {  	[sflag:s21] =	ssyncset.done $0x0  }
0x25: {  	[sflag:s21] =	ssyncadd.s32 $0xFFFFE0C0  }
0x26: {  	[spmem:s11] =	stream.linear.scatter [tilespmem:s20], [sflag:$0x2], $0x1F40, $0x38;
	[tilespmem:$0xD020] =	vst v63  }
0x27: {  	_ =	swait.ge [sflag:s21], $0x1F40  }
0x28: {  	[sflag:s21] =	ssyncset.done $0x0  }
0x29: {  	[sflag:s21] =	ssyncadd.s32 $0xFFFFE0C0  }
0x2a: {  	[spmem:s12] =	stream.linear.scatter [tilespmem:s20], [sflag:$0x2], $0x1F40, $0x38;
	[tilespmem:$0xD020] =	vst v63  }
0x2b: {  	_ =	swait.ge [sflag:s21], $0x1F40  }
0x2c: {  	[sflag:s21] =	ssyncset.done $0x0  }
0x2d: {  	[sflag:s21] =	ssyncadd.s32 $0xFFFFE0C0  }
0x2e: {  	s26 =	sadd.s32 $0x0, s18;
	[bflag:$0x0] =	sbarrier.arrive $0xFFFF  }
0x2f: {  	[tilespmem:s4], [sflag:$0x2] =	stream.linear.gather [hbm4b:s26+s4], $0x50, $0x38;
	[tilespmem:$0xD020] =	vst v63  }
0x30: {  	_ =	swait.ge [sflag:s21], $0x50  }
0x31: {  	[sflag:s21] =	ssyncset.done $0x0  }
0x32: {  	s31 =	sadd.s32 $0x0, s19;
	[sflag:s21] =	ssyncadd.s32 $0xFFFFFFB0  }
0x33: {  	[tilespmem:s22], [sflag:$0x2] =	stream.linear.gather [hbm4b:s31+s4], $0x50, $0x38;
	[tilespmem:$0xD020] =	vst v63  }
0x34: {  	_ =	swait.ge [sflag:s21], $0x50  }
0x35: {  	[sflag:s21] =	ssyncset.done $0x0  }
0x36: {  	[sflag:s21] =	ssyncadd.s32 $0xFFFFFFB0  }
0x37: {  	[tilespmem:s23], [sflag:$0x1] =	stream.indirect.gather [hbm4b:s5+s22], $0x40, s4, s22, $0xb8;
	[tilespmem:$0xD020] =	vst v63  }
0x38: {  	_ =	swait.ge [sflag:s24], $0x1400  }
0x39: {  	[sflag:s24] =	ssyncset.done $0x0  }
0x3a: {  	[sflag:s24] =	ssyncadd.s32 $0xFFFFEC00  }
0x3b: {  	[spmem:s3] =	stream.indirect.scatter.add.f32 [tilespmem:s23], [sflag:$0x2], $0x40, s22, s22, $0xb8;
	[tilespmem:$0xD020] =	vst v63  }
0x3c: {  	_ =	swait.ge [sflag:s21], $0x1400  }
0x3d: {  	s28 =	simm.s32 $0x14;
	s26 =	simm.s32 $0xA;
	[sflag:s21] =	ssyncset.done $0x0  }
.LBB2_2:
0x3e: {  	s29 =	sadd.s32 s26, s18  }
0x3f: {  	[sflag:s21] =	ssyncadd.s32 $0xFFFFEC00;
	s30 =	smov.u32 s28;
	s31 =	sadd.s32 $0xA, s28  }
0x40: {  	[tilespmem:s4], [sflag:$0x2] =	stream.linear.gather [hbm4b:s29+s4], $0x50, $0x38;
	[tilespmem:$0xD020] =	vst v63  }
0x41: {  	p0 =	sne.s32 s28, $0x4D8;
	_ =	swait.ge [sflag:s21], $0x50  }
0x42: {  	[sflag:s21] =	ssyncset.done $0x0  }
0x43: {  	s28 =	sadd.s32 s26, s19;
	s26 =	smov.u32 s30;
	[sflag:s21] =	ssyncadd.s32 $0xFFFFFFB0  }
0x44: {  	[tilespmem:s22], [sflag:$0x2] =	stream.linear.gather [hbm4b:s28+s4], $0x50, $0x38;
	[tilespmem:$0xD020] =	vst v63  }
0x45: {  	_ =	swait.ge [sflag:s21], $0x50  }
0x46: {  	[sflag:s21] =	ssyncset.done $0x0  }
0x47: {  	[sflag:s21] =	ssyncadd.s32 $0xFFFFFFB0  }
0x48: {  	[tilespmem:s23], [sflag:$0x1] =	stream.indirect.gather [hbm4b:s5+s22], $0x40, s4, s22, $0xb8;
	[tilespmem:$0xD020] =	vst v63  }
0x49: {  	_ =	swait.ge [sflag:s24], $0x1400  }
.Ltmp0:
0x4a: {  	[sflag:s24] =	ssyncset.done $0x0;
	(pc) =	sbr.rel @p0 .LBB2_2-.Ltmp0, $4  }
0x4b: {  	[sflag:s24] =	ssyncadd.s32 $0xFFFFEC00  }
0x4c: {  	[spmem:s3] =	stream.indirect.scatter.add.f32 [tilespmem:s23], [sflag:$0x2], $0x40, s22, s22, $0xb8;
	[tilespmem:$0xD020] =	vst v63  }
0x4d: {  	_ =	swait.ge [sflag:s21], $0x1400  }
0x4e: {  	s28 =	smov.u32 s31;
	[sflag:s21] =	ssyncset.done $0x0  }
0x4f: {  	s28 =	sadd.s32 s26, s18;
	[sflag:s21] =	ssyncadd.s32 $0xFFFFEC00  }
0x50: {  	[tilespmem:s4], [sflag:$0x2] =	stream.linear.gather [hbm4b:s28+s4], $0x50, $0x38;
	[tilespmem:$0xD020] =	vst v63  }
0x51: {  	_ =	swait.ge [sflag:s21], $0x50  }
0x52: {  	[sflag:s21] =	ssyncset.done $0x0  }
0x53: {  	s31 =	sadd.s32 s26, s19;
	[sflag:s21] =	ssyncadd.s32 $0xFFFFFFB0  }
0x54: {  	[tilespmem:s22], [sflag:$0x2] =	stream.linear.gather [hbm4b:s31+s4], $0x50, $0x38;
	[tilespmem:$0xD020] =	vst v63  }
0x55: {  	_ =	swait.ge [sflag:s21], $0x50  }
0x56: {  	[sflag:s21] =	ssyncset.done $0x0  }
0x57: {  	[sflag:s21] =	ssyncadd.s32 $0xFFFFFFB0  }
0x58: {  	[tilespmem:s23], [sflag:$0x1] =	stream.indirect.gather [hbm4b:s5+s22], $0x40, s4, s22, $0xb8;
	[tilespmem:$0xD020] =	vst v63  }
0x59: {  	_ =	swait.ge [sflag:s24], $0x1400  }
0x5a: {  	[sflag:s24] =	ssyncset.done $0x0  }
0x5b: {  	[sflag:s24] =	ssyncadd.s32 $0xFFFFEC00  }
0x5c: {  	[spmem:s3] =	stream.indirect.scatter.add.f32 [tilespmem:s23], [sflag:$0x2], $0x40, s22, s22, $0xb8;
	[tilespmem:$0xD020] =	vst v63  }
0x5d: {  	_ =	swait.ge [sflag:s21], $0x1400  }
0x5e: {  	[sflag:s21] =	ssyncset.done $0x0  }
0x5f: {  	[sflag:s21] =	ssyncadd.s32 $0xFFFFEC00  }
0x60: {  	[bflag:$0x0] =	sbarrier.arrive $0xFFFF  }
0x61: {  	[tilespmem:s20], [sflag:$0x2] =	stream.linear.gather [spmem:s6], $0x1F40, $0x38;
	[tilespmem:$0xD020] =	vst v63  }
0x62: {  	_ =	swait.ge [sflag:s21], $0x1F40  }
0x63: {  	[sflag:s21] =	ssyncset.done $0x0  }
0x64: {  	[sflag:s21] =	ssyncadd.s32 $0xFFFFE0C0  }
0x65: {  	[hbm4b:s13+s4] =	stream.linear.scatter [tilespmem:s20], [sflag:$0x2], $0x1F40, $0x38;
	[tilespmem:$0xD020] =	vst v63  }
0x66: {  	_ =	swait.ge [sflag:s21], $0x1F40  }
0x67: {  	[sflag:s21] =	ssyncset.done $0x0  }
0x68: {  	[sflag:s21] =	ssyncadd.s32 $0xFFFFE0C0  }
0x69: {  	[tilespmem:s20], [sflag:$0x2] =	stream.linear.gather [spmem:s9], $0x1F40, $0x38;
	[tilespmem:$0xD020] =	vst v63  }
0x6a: {  	_ =	swait.ge [sflag:s21], $0x1F40  }
0x6b: {  	[sflag:s21] =	ssyncset.done $0x0  }
0x6c: {  	[sflag:s21] =	ssyncadd.s32 $0xFFFFE0C0  }
0x6d: {  	[hbm4b:s14+s4] =	stream.linear.scatter [tilespmem:s20], [sflag:$0x2], $0x1F40, $0x38;
	[tilespmem:$0xD020] =	vst v63  }
0x6e: {  	_ =	swait.ge [sflag:s21], $0x1F40  }
0x6f: {  	[sflag:s21] =	ssyncset.done $0x0  }
0x70: {  	[sflag:s21] =	ssyncadd.s32 $0xFFFFE0C0  }
0x71: {  	[tilespmem:s20], [sflag:$0x2] =	stream.linear.gather [spmem:s10], $0x1F40, $0x38;
	[tilespmem:$0xD020] =	vst v63  }
0x72: {  	_ =	swait.ge [sflag:s21], $0x1F40  }
0x73: {  	[sflag:s21] =	ssyncset.done $0x0  }
0x74: {  	[sflag:s21] =	ssyncadd.s32 $0xFFFFE0C0  }
0x75: {  	[hbm4b:s15+s4] =	stream.linear.scatter [tilespmem:s20], [sflag:$0x2], $0x1F40, $0x38;
	[tilespmem:$0xD020] =	vst v63  }
0x76: {  	_ =	swait.ge [sflag:s21], $0x1F40  }
0x77: {  	[sflag:s21] =	ssyncset.done $0x0  }
0x78: {  	[sflag:s21] =	ssyncadd.s32 $0xFFFFE0C0  }
0x79: {  	[tilespmem:s20], [sflag:$0x2] =	stream.linear.gather [spmem:s11], $0x1F40, $0x38;
	[tilespmem:$0xD020] =	vst v63  }
0x7a: {  	_ =	swait.ge [sflag:s21], $0x1F40  }
0x7b: {  	[sflag:s21] =	ssyncset.done $0x0  }
0x7c: {  	[sflag:s21] =	ssyncadd.s32 $0xFFFFE0C0  }
0x7d: {  	[hbm4b:s16+s4] =	stream.linear.scatter [tilespmem:s20], [sflag:$0x2], $0x1F40, $0x38;
	[tilespmem:$0xD020] =	vst v63  }
0x7e: {  	_ =	swait.ge [sflag:s21], $0x1F40  }
0x7f: {  	[sflag:s21] =	ssyncset.done $0x0  }
0x80: {  	[sflag:s21] =	ssyncadd.s32 $0xFFFFE0C0  }
0x81: {  	[tilespmem:s20], [sflag:$0x2] =	stream.linear.gather [spmem:s12], $0x1F40, $0x38;
	[tilespmem:$0xD020] =	vst v63  }
0x82: {  	s25 =	sadd.s32 $0x1, s25;
	_ =	swait.ge [sflag:s21], $0x1F40  }
0x83: {  	p0 =	sne.s32 s25, s7;
	[sflag:s21] =	ssyncset.done $0x0  }
.Ltmp1:
0x84: {  	[sflag:s21] =	ssyncadd.s32 $0xFFFFE0C0;
	(pc) =	sbr.rel @p0 .LBB2_1-.Ltmp1, $4  }
0x85: {  	[hbm4b:s17+s4] =	stream.linear.scatter [tilespmem:s20], [sflag:$0x2], $0x1F40, $0x38;
	[tilespmem:$0xD020] =	vst v63  }
0x86: {  	_ =	swait.ge [sflag:s21], $0x1F40  }
0x87: {  	[sflag:s21] =	ssyncset.done $0x0  }
0x88: {  	[sflag:s21] =	ssyncadd.s32 $0xFFFFE0C0  }
0x89: {  	_ =	sfence.sel $0x180000  }
0x8a: {  	[bflag:$0x0] =	sbarrier.arrive $0xFFFF  }
0x8b: {  	p0 =	sne.s32 s2, $0x0;
	_ =	strace $0x9000004A  }
0x8c: {  	s0 =	sadd.s32 @!p0 $0x100000, s0;
	[bflag:$0x2] =	sbarrier.arrive $0xFFFF  }
0x8d: {  	[sflag:s0] =	ssyncadd.tile.s32 @!p0 $0x1;
	_ =	shalt  }
.Lfunc_end2:
_tile_overlayer_lowered:
.L_overlay_start_2:
0x8e: {  	(tag) =	ssettag $0x2  }
0x8f: {  	s0 =	rddreg [dreg:$0x0];
	s2 =	stileid.u32  }
0x90: {  	s1 =	rddreg [dreg:$0x1];
	p0 =	sne.s32 s2, $0x0  }
0x91: {  	s3 =	rddreg [dreg:$0x2];
	[bflag:$0x3] =	sbarrier.arrive $0xFFFF;
	s2 =	simm.s32 @!p0 $0x1C02  }
0x92: {  	[timem:s3], [sflag:s2] =	dma.local @!p0 [hbm:s0], s1  }
0x93: {  	s0 =	simm.s32 @!p0 $0x2  }
0x94: {  	_ =	swait.ge @!p0 [sflag:s0], s1  }
0x95: {  	s1 =	ssub.s32 @!p0 $0x0, s1;
	[sflag:s0] =	ssyncset.done @!p0 $0x0  }
0x96: {  	[sflag:s0] =	ssyncadd.s32 @!p0 s1  }
0x97: {  	[bflag:$0x3] =	sbarrier.arrive $0xFFFF  }
0x98: {  	_ =	shalt  }

// kernel: kernel.7.cloned.1.call-start
scs
__scs_entry_jumppad:
0x0: {  	(pc) =	sbr.rel $0x88, $3  }
0x1: {  	(tag) =	ssettag $0x0;
	lr =	simm.s32 $0x1  }
0x2: {  	[smem:$0x3F98] =	sst lr;
	_ =	strace $0xD0000000  }
0x3: {  	_ = 	snop  }
0x4: {  	_ = 	snop  }
0x5: {  	_ = 	snop  }
0x6: {  	_ = 	snop  }
0x7: {  	_ = 	snop  }
__scs_overlays_trampoline_lowered:
0x8: {  	[smem:$0x3FA7] =	sst s0  }
0x9: {  	[smem:$0x3FA8] =	sst s1  }
0xa: {  	[smem:$0x3FA9] =	sst s2  }
0xb: {  	[smem:$0x3FAA] =	sst s3  }
0xc: {  	[smem:$0x3FAB] =	sst s4  }
0xd: {  	[smem:$0x3FAC] =	sst s5  }
0xe: {  	[smem:$0x3FAD] =	sst s6  }
0xf: {  	[smem:$0x3FAE] =	sst s7  }
0x10: {  	[smem:$0x3FAF] =	sst s8  }
0x11: {  	[smem:$0x3FB0] =	sst s9;
	s0 =	simm.s32 @!p0 $0x0  }
0x12: {  	s1 =	sld [smem:$0x3F96];
	s0 =	simm.s32 @p0 $0x1  }
0x13: {  	[smem:$0x3FB1] =	sst s0;
	s0 =	simm.s32 @!p1 $0x0  }
0x14: {  	s2 =	sld [smem:$0x3F95];
	s0 =	simm.s32 @p1 $0x1  }
0x15: {  	[smem:$0x3FB2] =	sst s0;
	s0 =	simm.s32 @!p2 $0x0  }
0x16: {  	s3 =	sld [smem:$0x3FDB];
	s0 =	simm.s32 @p2 $0x1  }
0x17: {  	s4 =	simm.s32 $0x1BF5;
	[smem:$0x3FB4] =	sst s0  }
0x18: {  	s0 =	sld [smem:$0x3F97];
	_ =	swait.ge [sflag:s4], $0x0  }
0x19: {  	s7 =	sld [smem:$0x3F98]  }
0x1a: {  	s8 =	sadd.s32 $0xFFFFE003, lr  }
0x1b: {  	s9 =	sadd.s32 $0xFFFFFEF7, lr;
	s5 =	simm.s32 $0xFFFFFFFF;
	p2 =	slt.u32 s8, $0xFFFFF086  }
0x1c: {  	p1 =	slt.u32 s9, $0xF7A;
	s5 =	simm.s32 @!p2 $0x0  }
0x1d: {  	s5 =	simm.s32 @p1 $0x1;
	p0 =	seq.s32 s7, s2  }
0x1e: {  	s7 =	smul.u32 @!p0 $0xF7A, s2;
	p2 =	seq.s32 @!p0 s5, $0x0  }
0x1f: {  	s9 =	smul.u32 $0xF7A, s1;
	s8 =	simm.s32 @!p0 $0x1BF5;
	p2 =	por !p2, p0  }
0x20: {  	[sflag:s8] =	ssyncset.s32 @!p0 $0xFFFFF086;
	s6 =	sadd.s32 @!p0 s3, s7;
	s7 =	simm.s32 @!p0 $0x108  }
0x21: {  	s3 =	sadd.s32 s3, s9;
	s6 =	sadd.s32 @!p0 $0x88, s6;
	s7 =	simm.s32 @p2 $0x1082  }
0x22: {  	[simem:s7], [sflag:s8] =	dma.local @!p0 [hbm:s6], $0xF7A  }
0x23: {  	s9 =	sor.u32 $0xD0000000, s2;
	s6 =	simm.s32 $0x108;
	_ =	swait.ge @!p0 [sflag:s8], $0x0  }
0x24: {  	s3 =	sadd.s32 $0x88, s3;
	s6 =	simm.s32 @!p1 $0x1082;
	[sflag:s4] =	ssyncset.s32 $0xFFFFF086  }
0x25: {  	[simem:s6], [sflag:s4] =	dma.local [hbm:s3], $0xF7A  }
0x26: {  	[smem:$0x3F98] =	sst s1;
	(tag) =	ssettag s2;
	_ =	strace s9  }
0x27: {  	s1 =	sld [smem:$0x3FA8]  }
0x28: {  	s2 =	sld [smem:$0x3FA9]  }
0x29: {  	s4 =	sld [smem:$0x3FAB]  }
0x2a: {  	p0 =	seq.s32 s5, $0x0;
	s5 =	sld [smem:$0x3FAC]  }
0x2b: {  	s6 =	sld [smem:$0x3FAD]  }
0x2c: {  	s7 =	sld [smem:$0x3FAE]  }
0x2d: {  	s3 =	simm.s32 $0x108;
	s8 =	sld [smem:$0x3FAF]  }
0x2e: {  	s3 =	simm.s32 @!p0 $0x1082;
	s9 =	sld [smem:$0x3FB0]  }
0x2f: {  	lr =	sadd.s32 s0, s3;
	s0 =	sld [smem:$0x3FA7]  }
0x30: {  	s3 =	sld [smem:$0x3FAA]  }
0x31: {  	[smem:$0x3FB3] =	sst s10  }
0x32: {  	s10 =	sld [smem:$0x3FB1];
	_ =	sdelay $0x3  }
0x33: {  	p0 =	seq.s32 s10, $0x1;
	s10 =	sld [smem:$0x3FB3];
	_ =	sdelay $0x3  }
0x34: {  	[smem:$0x3FB3] =	sst s10  }
0x35: {  	s10 =	sld [smem:$0x3FB2];
	_ =	sdelay $0x3  }
0x36: {  	p1 =	seq.s32 s10, $0x1;
	s10 =	sld [smem:$0x3FB3];
	_ =	sdelay $0x3  }
0x37: {  	[smem:$0x3FB3] =	sst s10  }
0x38: {  	s10 =	sld [smem:$0x3FB4]  }
0x39: {  	_ = 	snop;
	(pc) =	sbr.ind lr, $3  }
0x3a: {  	_ = 	snop  }
0x3b: {  	_ = 	snop  }
0x3c: {  	p2 =	seq.s32 s10, $0x1;
	s10 =	sld [smem:$0x3FB3]  }
0x3d: {  	_ =	shalt  }
0x3e: {  	_ =	shalt  }
0x3f: {  	_ =	shalt  }
0x40: {  	_ =	shalt  }
0x41: {  	_ =	shalt  }
0x42: {  	_ =	shalt  }
0x43: {  	_ =	shalt  }
0x44: {  	_ =	shalt  }
0x45: {  	_ =	shalt  }
0x46: {  	_ =	shalt  }
0x47: {  	_ =	shalt  }
0x48: {  	_ =	shalt  }
0x49: {  	_ =	shalt  }
0x4a: {  	_ =	shalt  }
0x4b: {  	_ =	shalt  }
0x4c: {  	_ =	shalt  }
0x4d: {  	_ =	shalt  }
0x4e: {  	_ =	shalt  }
0x4f: {  	_ =	shalt  }
0x50: {  	_ =	shalt  }
0x51: {  	_ =	shalt  }
0x52: {  	_ =	shalt  }
0x53: {  	_ =	shalt  }
0x54: {  	_ =	shalt  }
0x55: {  	_ =	shalt  }
0x56: {  	_ =	shalt  }
0x57: {  	_ =	shalt  }
0x58: {  	_ =	shalt  }
0x59: {  	_ =	shalt  }
0x5a: {  	_ =	shalt  }
0x5b: {  	_ =	shalt  }
0x5c: {  	_ =	shalt  }
0x5d: {  	_ =	shalt  }
0x5e: {  	_ =	shalt  }
0x5f: {  	_ =	shalt  }
0x60: {  	_ =	shalt  }
0x61: {  	_ =	shalt  }
0x62: {  	_ =	shalt  }
0x63: {  	_ =	shalt  }
0x64: {  	_ =	shalt  }
0x65: {  	_ =	shalt  }
0x66: {  	_ =	shalt  }
0x67: {  	_ =	shalt  }
0x68: {  	_ =	shalt  }
0x69: {  	_ =	shalt  }
0x6a: {  	_ =	shalt  }
0x6b: {  	_ =	shalt  }
0x6c: {  	_ =	shalt  }
0x6d: {  	_ =	shalt  }
0x6e: {  	_ =	shalt  }
0x6f: {  	_ =	shalt  }
0x70: {  	_ =	shalt  }
0x71: {  	_ =	shalt  }
0x72: {  	_ =	shalt  }
0x73: {  	_ =	shalt  }
0x74: {  	_ =	shalt  }
0x75: {  	_ =	shalt  }
0x76: {  	_ =	shalt  }
0x77: {  	_ =	shalt  }
0x78: {  	_ =	shalt  }
0x79: {  	_ =	shalt  }
0x7a: {  	_ =	shalt  }
0x7b: {  	_ =	shalt  }
0x7c: {  	_ =	shalt  }
0x7d: {  	_ =	shalt  }
0x7e: {  	_ =	shalt  }
0x7f: {  	_ =	shalt  }
0x80: {  	_ =	shalt  }
0x81: {  	_ =	shalt  }
0x82: {  	_ =	shalt  }
0x83: {  	_ =	shalt  }
0x84: {  	_ =	shalt  }
0x85: {  	_ =	shalt  }
0x86: {  	_ =	shalt  }
0x87: {  	_ =	shalt  }
.Lfunc_end0:
.L_simem_size_0:
called_computation_lowered:
.L_overlay_start_0:
0x88: {  	s2 =	sld [smem:$0x3FD9]  }
0x89: {  	s3 =	sld [smem:$0x3FFE];
	_ =	sdelay $0x1  }
0x8a: {  	s1 =	srdreg.scid  }
0x8b: {  	s0 =	sand.u32 $0x1, s1  }
0x8c: {  	s16 =	sshll.u32 s0, $0xA;
	s2 =	sadd.s32 s3, s2  }
0x8d: {  	s2 =	sadd.s32 s2, s16  }
0x8e: {  	[smem:$0x3FBF] =	sst s2  }
0x8f: {  	_ = 	snop  }
0x90: {  	(tm) =	ssettm $0x1  }
0x91: {  	s17 =	sld [smem:$0x3FFB];
	_ =	sdelay $0x3  }
0x92: {  	_ =	strace s17  }
0x93: {  	s2 =	sld [smem:$0x3FFC];
	_ =	sdelay $0x3  }
0x94: {  	_ =	strace s2  }
0x95: {  	s2 =	sld [smem:$0x3FFD];
	_ =	sdelay $0x3  }
0x96: {  	_ =	strace s2  }
0x97: {  	_ =	strace $0x8FFFFFFF  }
0x98: {  	s18 =	sld [smem:$0x3FDB];
	_ =	sdelay $0x1  }
0x99: {  	s19 =	simm.s32 $_scs_section_size  }
0x9a: {  	s4 =	simm.s32 $_size__tile_overlayer_lowered;
	s5 =	simm.s32 $_tile_overlayer_lowered  }
0x9b: {  	s22 =	simm.s32 $0x1BFF;
	s21 =	sshll.u32 s5, $0x1;
	s2 =	sadd.s32 s19, s18  }
0x9c: {  	s6 =	simm.s32 $0x0;
	s20 =	sshll.u32 s4, $0x1;
	s4 =	sadd.s32 s21, s2  }
0x9d: {  	[timem:s6], [sflag:s22] =	dma.local [hbm:s4], s20  }
0x9e: {  	_ =	swait.ge [sflag:s22], s20  }
0x9f: {  	s3 =	ssub.s32 $0x0, s20;
	[sflag:s22] =	ssyncset.done $0x0  }
0xa0: {  	[sflag:s22] =	ssyncadd.s32 s3;
	_ =	sdelay $0x1  }
0xa1: {  	s23 =	simm.s32 $0x1B8B  }
0xa2: {  	_ =	swait.ge [sflag:s23], $0x1  }
0xa3: {  	[sflag:s23] =	ssyncset.done $0x0  }
0xa4: {  	s25 =	simm.s32 $0x1B8E;
	s24 =	sld [smem:$0x3FFE];
	[sflag:s23] =	ssyncadd.s32 $0xFFFFFFFF  }
0xa5: {  	s26 =	simm.s32 $execute0_lowered;
	[smem:$0x3FD2] =	sst s25  }
0xa6: {  	s4 =	sshll.u32 s26, $0x1;
	_ =	strace $0x80000046;
	[dreg:$0x1] =	wrdreg $0xFFFFFFFF  }
0xa7: {  	s28 =	simm.s32 $_size_execute0_lowered;
	s2 =	sadd.s32 s2, s4;
	[dreg:$0x0] =	wrdreg $0x0  }
0xa8: {  	s4 =	sshll.u32 s28, $0x1;
	[dreg:$0x2] =	wrdreg s2  }
0xa9: {  	[dreg:$0x3] =	wrdreg s4  }
0xaa: {  	[dreg:$0x4] =	wrdreg $0xC0  }
0xab: {  	_ =	task [dreg:s6], $0x5FFFF  }
0xac: {  	[dreg:$0x1] =	wrdreg $0xFFFFFFFF  }
0xad: {  	[dreg:$0x0] =	wrdreg $0x60  }
0xae: {  	[dreg:$0x2] =	wrdreg s24  }
0xaf: {  	[dreg:$0x3] =	wrdreg $0x73F00  }
0xb0: {  	[dreg:$0x4] =	wrdreg $0x9  }
0xb1: {  	_ =	task.clear_ibuf [dreg:s6], $0x5FFFF;
	_ =	strace $0x90000046  }
0xb2: {  	s29 =	simm.s32 $0x9;
	_ =	strace $0x80000048  }
0xb3: {  	_ =	swait.ge [sflag:s29], $0x1  }
0xb4: {  	[sflag:s29] =	ssyncadd.s32 $0xFFFFFFFF  }
0xb5: {  	_ =	strace $0x90000048  }
0xb6: {  	_ =	sfence  }
0xb7: {  	s30 =	sld [smem:$0x0];
	_ =	sdelay $0x2  }
0xb8: {  	s31 =	sshll.u32 s1, $0xD;
	s1 =	sshrl.u32 s1, $0x2  }
0xb9: {  	s3 =	sand.u32 $0x4000, s31;
	s1 =	sadd.s32 s1, s30  }
0xba: {  	s0 =	sor.u32 s3, s0;
	s1 =	sshll.u32 s1, $0x11  }
0xbb: {  	s0 =	sor.u32 s1, s0  }
0xbc: {  	s0 =	sadd.s32 $0x8F2B, s0  }
0xbd: {  	[sflag:s0] =	ssyncadd.remote.s32 $0x1  }
0xbe: {  	_ =	sfence.sel $0xFFFF  }
0xbf: {  	[dreg:$0x0] =	wrdreg $0xFFFFFFFF;
	(pc) =	sbr.abs _section_cstart, $3  }
0xc0: {  	[dreg:$0x1] =	wrdreg $0xFFFFFFFF  }
0xc1: {  	_ =	task.clear_ibuf [dreg:s6], $0x2FFFF;
	_ =	strace $0x9FFFFFFF  }
0xc2: {  	(tm) =	ssettm $0x7FFFFFFF  }
0xc3: {  	_ =	shalt  }
tec
execute0_lowered:
.L_overlay_start_1:
0x0: {  	(tag) =	ssettag $0x1  }
0x1: {  	s0 =	rddreg [dreg:$0x0]  }
0x2: {  	s2 =	rddreg [dreg:$0x1];
	s1 =	stileid.u32  }
0x3: {  	s3 =	simm.s32 $0x0;
	s4 =	srdreg.scid;
	s5 =	smul.u32 $0x9C4, s1  }
0x4: {  	s28 =	simm.s32 $0xA0;
	s29 =	simm.s32 $0x1;
	s6 =	smul.u32 $0x271, s1  }
0x5: {  	[smem:$0x7FF] =	sst s3;
	s18 =	sand.u32 $0x1, s4;
	s19 =	smul.u32 $0x15F90, s1  }
0x6: {  	s4 =	sadd.s32 $0x16000, s0;
	s15 =	sadd.s32 $0x42000, s0;
	s11 =	smul.u32 $0x57E40, s1  }
0x7: {  	s30 =	simm.s32 $0x0;
	_ =	strace $0x80000047;
	s20 =	smul.u32 $0x15F900, s18  }
0x8: {  	[dreg:$0x3] =	wrdreg s15;
	s7 =	ssub.s32 $0x2, s18;
	s21 =	sadd.s32 s5, s0  }
0x9: {  	s8 =	sshrl.u32 s7, $0x1;
	s12 =	sadd.s32 $0x7D, s6;
	s0 =	sadd.s32 $0x42A00, s0  }
0xa: {  	s16 =	sadd.s32 s19, s2;
	s17 =	sshrl.u32 s11, $0x2;
	s10 =	sadd.s32 $0x23280, s11  }
0xb: {  	s13 =	sadd.s32 $0x34BC0, s11;
	s11 =	sadd.s32 $0x46500, s11;
	s7 =	ssub.s32 s7, s8  }
0xc: {  	s9 =	smul.u32 $0x240, s12;
	[dreg:$0x4] =	wrdreg s16;
	s8 =	sadd.s32 s17, s2  }
0xd: {  	s10 =	sshrl.u32 s10, $0x2;
	s13 =	sshrl.u32 s13, $0x2;
	s14 =	sshrl.u32 s11, $0x2  }
0xe: {  	s15 =	sadd.s32 s20, s19;
	s16 =	smul.u32 $0x90, s12;
	s17 =	sadd.s32 $0x8CA0, s19  }
0xf: {  	s7 =	smax.u32 s7, $0x1;
	s10 =	sadd.s32 s10, s2;
	s11 =	sadd.s32 s13, s2  }
0x10: {  	s12 =	sadd.s32 s14, s2;
	s22 =	sshrl.u32 s15, $0x3;
	s24 =	sadd.s32 s20, s17  }
0x11: {  	s9 =	sshrl.u32 s9, $0x2;
	s13 =	sadd.s32 s0, s22;
	s23 =	sadd.s32 s20, s16  }
0x12: {  	s14 =	sadd.s32 s16, s2;
	s22 =	sshrl.u32 s24, $0x3;
	s16 =	sadd.s32 s17, s2  }
0x13: {  	s24 =	sadd.s32 $0x11940, s19;
	s9 =	sadd.s32 s9, s2;
	s15 =	sshrl.u32 s23, $0x3  }
0x14: {  	s23 =	sadd.s32 $0xD2F0, s19;
	s17 =	sadd.s32 s0, s22;
	s26 =	sadd.s32 s20, s24  }
0x15: {  	s15 =	sadd.s32 s0, s15;
	s25 =	sadd.s32 s20, s23;
	s20 =	sadd.s32 s24, s2  }
0x16: {  	s24 =	simm.s32 $0x2DA0;
	s22 =	sshrl.u32 s25, $0x3;
	s25 =	smul.u32 $0x4E2, s18  }
0x17: {  	s18 =	sadd.s32 s23, s2;
	s19 =	sadd.s32 s0, s22;
	s22 =	sshrl.u32 s26, $0x3  }
0x18: {  	s26 =	simm.s32 $0x50;
	s31 =	sadd.s32 s25, s21;
	s21 =	sadd.s32 s0, s22  }
0x19: {  	s25 =	simm.s32 $0x2;
	s22 =	sadd.s32 $0xC200, s31;
	s23 =	sadd.s32 $0x2400, s31  }
.LBB2_1:
0x1a: {  	s0 =	rddreg [dreg:$0x3]  }
0x1b: {  	[tilespmem:s24], [sflag:$0x2] =	stream.linear.gather [hbm4b:s0+s3], $0x4650, $0x38;
	[tilespmem:$0x1D380] =	vst v63  }
0x1c: {  	_ =	swait.ge [sflag:s25], $0x4650  }
0x1d: {  	[sflag:s25] =	ssyncset.done $0x0  }
0x1e: {  	[sflag:s25] =	ssyncadd.s32 $0xFFFFB9B0  }
0x1f: {  	[spmem:s8] =	stream.linear.scatter [tilespmem:s24], [sflag:$0x2], $0x4650, $0x38;
	[tilespmem:$0x1D380] =	vst v63  }
0x20: {  	_ =	swait.ge [sflag:s25], $0x4650  }
0x21: {  	[sflag:s25] =	ssyncset.done $0x0  }
0x22: {  	[sflag:s25] =	ssyncadd.s32 $0xFFFFB9B0  }
0x23: {  	[spmem:s9] =	stream.linear.scatter [tilespmem:s24], [sflag:$0x2], $0x4650, $0x38;
	[tilespmem:$0x1D380] =	vst v63  }
0x24: {  	_ =	swait.ge [sflag:s25], $0x4650  }
0x25: {  	[sflag:s25] =	ssyncset.done $0x0  }
0x26: {  	[sflag:s25] =	ssyncadd.s32 $0xFFFFB9B0  }
0x27: {  	[spmem:s10] =	stream.linear.scatter [tilespmem:s24], [sflag:$0x2], $0x4650, $0x38;
	[tilespmem:$0x1D380] =	vst v63  }
0x28: {  	_ =	swait.ge [sflag:s25], $0x4650  }
0x29: {  	[sflag:s25] =	ssyncset.done $0x0  }
0x2a: {  	[sflag:s25] =	ssyncadd.s32 $0xFFFFB9B0  }
0x2b: {  	[spmem:s11] =	stream.linear.scatter [tilespmem:s24], [sflag:$0x2], $0x4650, $0x38;
	[tilespmem:$0x1D380] =	vst v63  }
0x2c: {  	_ =	swait.ge [sflag:s25], $0x4650  }
0x2d: {  	[sflag:s25] =	ssyncset.done $0x0  }
0x2e: {  	[sflag:s25] =	ssyncadd.s32 $0xFFFFB9B0  }
0x2f: {  	[spmem:s12] =	stream.linear.scatter [tilespmem:s24], [sflag:$0x2], $0x4650, $0x38;
	[tilespmem:$0x1D380] =	vst v63  }
0x30: {  	_ =	swait.ge [sflag:s25], $0x4650  }
0x31: {  	[sflag:s25] =	ssyncset.done $0x0  }
0x32: {  	[sflag:s25] =	ssyncadd.s32 $0xFFFFB9B0  }
0x33: {  	s5 =	sadd.s32 $0x0, s22;
	[bflag:$0x0] =	sbarrier.arrive $0xFFFF  }
0x34: {  	[tilespmem:s3], [sflag:$0x2] =	stream.linear.gather [hbm4b:s5+s3], $0x50, $0x38;
	[tilespmem:$0x1D380] =	vst v63  }
0x35: {  	_ =	swait.ge [sflag:s25], $0x50  }
0x36: {  	[sflag:s25] =	ssyncset.done $0x0  }
0x37: {  	s6 =	sadd.s32 $0x0, s23;
	[sflag:s25] =	ssyncadd.s32 $0xFFFFFFB0  }
0x38: {  	[tilespmem:s26], [sflag:$0x2] =	stream.linear.gather [hbm4b:s6+s3], $0x50, $0x38;
	[tilespmem:$0x1D380] =	vst v63  }
0x39: {  	_ =	swait.ge [sflag:s25], $0x50  }
0x3a: {  	[sflag:s25] =	ssyncset.done $0x0  }
0x3b: {  	[sflag:s25] =	ssyncadd.s32 $0xFFFFFFB0  }
0x3c: {  	[tilespmem:s28], [sflag:$0x1] =	stream.indirect.gather [hbm4b:s4+s26], $0x90, s3, s26, $0xb8;
	[tilespmem:$0x1D380] =	vst v63  }
0x3d: {  	_ =	swait.ge [sflag:s29], $0x2D00  }
0x3e: {  	[sflag:s29] =	ssyncset.done $0x0  }
0x3f: {  	[sflag:s29] =	ssyncadd.s32 $0xFFFFD300  }
0x40: {  	[spmem:s2] =	stream.indirect.scatter.add.f32 [tilespmem:s28], [sflag:$0x2], $0x90, s26, s26, $0xb8;
	[tilespmem:$0x1D380] =	vst v63  }
0x41: {  	_ =	swait.ge [sflag:s25], $0x2D00  }
0x42: {  	s31 =	simm.s32 $0xA;
	s0 =	simm.s32 $0x14;
	[sflag:s25] =	ssyncset.done $0x0  }
.LBB2_2:
0x43: {  	s1 =	sadd.s32 s31, s22  }
0x44: {  	[sflag:s25] =	ssyncadd.s32 $0xFFFFD300;
	s5 =	smov.u32 s0;
	s6 =	sadd.s32 $0xA, s0  }
0x45: {  	[tilespmem:s3], [sflag:$0x2] =	stream.linear.gather [hbm4b:s1+s3], $0x50, $0x38;
	[tilespmem:$0x1D380] =	vst v63  }
0x46: {  	p0 =	sne.s32 s0, $0x4D8;
	_ =	swait.ge [sflag:s25], $0x50  }
0x47: {  	[sflag:s25] =	ssyncset.done $0x0  }
0x48: {  	s0 =	sadd.s32 s31, s23;
	s31 =	smov.u32 s5;
	[sflag:s25] =	ssyncadd.s32 $0xFFFFFFB0  }
0x49: {  	[tilespmem:s26], [sflag:$0x2] =	stream.linear.gather [hbm4b:s0+s3], $0x50, $0x38;
	[tilespmem:$0x1D380] =	vst v63  }
0x4a: {  	_ =	swait.ge [sflag:s25], $0x50  }
0x4b: {  	[sflag:s25] =	ssyncset.done $0x0  }
0x4c: {  	[sflag:s25] =	ssyncadd.s32 $0xFFFFFFB0  }
0x4d: {  	[tilespmem:s28], [sflag:$0x1] =	stream.indirect.gather [hbm4b:s4+s26], $0x90, s3, s26, $0xb8;
	[tilespmem:$0x1D380] =	vst v63  }
0x4e: {  	_ =	swait.ge [sflag:s29], $0x2D00  }
.Ltmp0:
0x4f: {  	[sflag:s29] =	ssyncset.done $0x0;
	(pc) =	sbr.rel @p0 .LBB2_2-.Ltmp0, $4  }
0x50: {  	[sflag:s29] =	ssyncadd.s32 $0xFFFFD300  }
0x51: {  	[spmem:s2] =	stream.indirect.scatter.add.f32 [tilespmem:s28], [sflag:$0x2], $0x90, s26, s26, $0xb8;
	[tilespmem:$0x1D380] =	vst v63  }
0x52: {  	_ =	swait.ge [sflag:s25], $0x2D00  }
0x53: {  	s0 =	smov.u32 s6;
	[sflag:s25] =	ssyncset.done $0x0  }
0x54: {  	s0 =	sadd.s32 s31, s22;
	[sflag:s25] =	ssyncadd.s32 $0xFFFFD300  }
0x55: {  	[tilespmem:s3], [sflag:$0x2] =	stream.linear.gather [hbm4b:s0+s3], $0x50, $0x38;
	[tilespmem:$0x1D380] =	vst v63  }
0x56: {  	_ =	swait.ge [sflag:s25], $0x50  }
0x57: {  	[sflag:s25] =	ssyncset.done $0x0  }
0x58: {  	s6 =	sadd.s32 s31, s23;
	[sflag:s25] =	ssyncadd.s32 $0xFFFFFFB0  }
0x59: {  	[tilespmem:s26], [sflag:$0x2] =	stream.linear.gather [hbm4b:s6+s3], $0x50, $0x38;
	[tilespmem:$0x1D380] =	vst v63  }
0x5a: {  	_ =	swait.ge [sflag:s25], $0x50  }
0x5b: {  	[sflag:s25] =	ssyncset.done $0x0  }
0x5c: {  	[sflag:s25] =	ssyncadd.s32 $0xFFFFFFB0  }
0x5d: {  	[tilespmem:s28], [sflag:$0x1] =	stream.indirect.gather [hbm4b:s4+s26], $0x90, s3, s26, $0xb8;
	[tilespmem:$0x1D380] =	vst v63  }
0x5e: {  	_ =	swait.ge [sflag:s29], $0x2D00  }
0x5f: {  	[sflag:s29] =	ssyncset.done $0x0  }
0x60: {  	[sflag:s29] =	ssyncadd.s32 $0xFFFFD300  }
0x61: {  	[spmem:s2] =	stream.indirect.scatter.add.f32 [tilespmem:s28], [sflag:$0x2], $0x90, s26, s26, $0xb8;
	[tilespmem:$0x1D380] =	vst v63  }
0x62: {  	_ =	swait.ge [sflag:s25], $0x2D00  }
0x63: {  	[sflag:s25] =	ssyncset.done $0x0  }
0x64: {  	[sflag:s25] =	ssyncadd.s32 $0xFFFFD300  }
0x65: {  	[bflag:$0x0] =	sbarrier.arrive $0xFFFF  }
0x66: {  	s31 =	rddreg [dreg:$0x4]  }
0x67: {  	[tilespmem:s24], [sflag:$0x2] =	stream.linear.gather [spmem:s31], $0x4650, $0x38;
	[tilespmem:$0x1D380] =	vst v63  }
0x68: {  	_ =	swait.ge [sflag:s25], $0x4650  }
0x69: {  	[sflag:s25] =	ssyncset.done $0x0  }
0x6a: {  	[sflag:s25] =	ssyncadd.s32 $0xFFFFB9B0  }
0x6b: {  	[hbm4b:s13+s3] =	stream.linear.scatter [tilespmem:s24], [sflag:$0x2], $0x4650, $0x38;
	[tilespmem:$0x1D380] =	vst v63  }
0x6c: {  	_ =	swait.ge [sflag:s25], $0x4650  }
0x6d: {  	[sflag:s25] =	ssyncset.done $0x0  }
0x6e: {  	[sflag:s25] =	ssyncadd.s32 $0xFFFFB9B0  }
0x6f: {  	[tilespmem:s24], [sflag:$0x2] =	stream.linear.gather [spmem:s14], $0x4650, $0x38;
	[tilespmem:$0x1D380] =	vst v63  }
0x70: {  	_ =	swait.ge [sflag:s25], $0x4650  }
0x71: {  	[sflag:s25] =	ssyncset.done $0x0  }
0x72: {  	[sflag:s25] =	ssyncadd.s32 $0xFFFFB9B0  }
0x73: {  	[hbm4b:s15+s3] =	stream.linear.scatter [tilespmem:s24], [sflag:$0x2], $0x4650, $0x38;
	[tilespmem:$0x1D380] =	vst v63  }
0x74: {  	_ =	swait.ge [sflag:s25], $0x4650  }
0x75: {  	[sflag:s25] =	ssyncset.done $0x0  }
0x76: {  	[sflag:s25] =	ssyncadd.s32 $0xFFFFB9B0  }
0x77: {  	[tilespmem:s24], [sflag:$0x2] =	stream.linear.gather [spmem:s16], $0x4650, $0x38;
	[tilespmem:$0x1D380] =	vst v63  }
0x78: {  	_ =	swait.ge [sflag:s25], $0x4650  }
0x79: {  	[sflag:s25] =	ssyncset.done $0x0  }
0x7a: {  	[sflag:s25] =	ssyncadd.s32 $0xFFFFB9B0  }
0x7b: {  	[hbm4b:s17+s3] =	stream.linear.scatter [tilespmem:s24], [sflag:$0x2], $0x4650, $0x38;
	[tilespmem:$0x1D380] =	vst v63  }
0x7c: {  	_ =	swait.ge [sflag:s25], $0x4650  }
0x7d: {  	[sflag:s25] =	ssyncset.done $0x0  }
0x7e: {  	[sflag:s25] =	ssyncadd.s32 $0xFFFFB9B0  }
0x7f: {  	[tilespmem:s24], [sflag:$0x2] =	stream.linear.gather [spmem:s18], $0x4650, $0x38;
	[tilespmem:$0x1D380] =	vst v63  }
0x80: {  	_ =	swait.ge [sflag:s25], $0x4650  }
0x81: {  	[sflag:s25] =	ssyncset.done $0x0  }
0x82: {  	[sflag:s25] =	ssyncadd.s32 $0xFFFFB9B0  }
0x83: {  	[hbm4b:s19+s3] =	stream.linear.scatter [tilespmem:s24], [sflag:$0x2], $0x4650, $0x38;
	[tilespmem:$0x1D380] =	vst v63  }
0x84: {  	_ =	swait.ge [sflag:s25], $0x4650  }
0x85: {  	[sflag:s25] =	ssyncset.done $0x0  }
0x86: {  	[sflag:s25] =	ssyncadd.s32 $0xFFFFB9B0  }
0x87: {  	[tilespmem:s24], [sflag:$0x2] =	stream.linear.gather [spmem:s20], $0x4650, $0x38;
	[tilespmem:$0x1D380] =	vst v63  }
0x88: {  	s30 =	sadd.s32 $0x1, s30;
	_ =	swait.ge [sflag:s25], $0x4650  }
0x89: {  	p0 =	sne.s32 s30, s7;
	[sflag:s25] =	ssyncset.done $0x0  }
.Ltmp1:
0x8a: {  	[sflag:s25] =	ssyncadd.s32 $0xFFFFB9B0;
	(pc) =	sbr.rel @p0 .LBB2_1-.Ltmp1, $4  }
0x8b: {  	[hbm4b:s21+s3] =	stream.linear.scatter [tilespmem:s24], [sflag:$0x2], $0x4650, $0x38;
	[tilespmem:$0x1D380] =	vst v63  }
0x8c: {  	_ =	swait.ge [sflag:s25], $0x4650  }
0x8d: {  	[sflag:s25] =	ssyncset.done $0x0  }
0x8e: {  	[sflag:s25] =	ssyncadd.s32 $0xFFFFB9B0  }
0x8f: {  	_ =	sfence.sel $0x180000  }
0x90: {  	[bflag:$0x0] =	sbarrier.arrive $0xFFFF  }
0x91: {  	_ =	strace $0x90000047  }
0x92: {  	s0 =	stileid.u32;
	[bflag:$0x2] =	sbarrier.arrive $0xFFFF  }
0x93: {  	p0 =	sne.s32 s0, $0x0;
	s0 =	rddreg [dreg:$0x2]  }
0x94: {  	s0 =	sadd.s32 @!p0 $0x100000, s0  }
0x95: {  	[sflag:s0] =	ssyncadd.tile.s32 @!p0 $0x1;
	_ =	shalt  }
.Lfunc_end2:
_tile_overlayer_lowered:
.L_overlay_start_2:
0x96: {  	(tag) =	ssettag $0x2  }
0x97: {  	s0 =	rddreg [dreg:$0x0];
	s2 =	stileid.u32  }
0x98: {  	s1 =	rddreg [dreg:$0x1];
	p0 =	sne.s32 s2, $0x0  }
0x99: {  	s3 =	rddreg [dreg:$0x2];
	[bflag:$0x3] =	sbarrier.arrive $0xFFFF;
	s2 =	simm.s32 @!p0 $0x1C02  }
0x9a: {  	[timem:s3], [sflag:s2] =	dma.local @!p0 [hbm:s0], s1  }
0x9b: {  	s0 =	simm.s32 @!p0 $0x2  }
0x9c: {  	_ =	swait.ge @!p0 [sflag:s0], s1  }
0x9d: {  	s1 =	ssub.s32 @!p0 $0x0, s1;
	[sflag:s0] =	ssyncset.done @!p0 $0x0  }
0x9e: {  	[sflag:s0] =	ssyncadd.s32 @!p0 s1  }
0x9f: {  	[bflag:$0x3] =	sbarrier.arrive $0xFFFF  }
0xa0: {  	_ =	shalt  }

</sc_bundles>
